<compile_context>
chip_gen: v7x
topology: tpu7x:2x2x1
jax: 0.10.2.dev20260603
libtpu: 0.0.44.dev20260713+nightly
codegen_flags: <defaults>
</compile_context>

<pallas_src>
import functools

import jax
import jax.numpy as jnp
from jax import lax
from jax.experimental import pallas as pl
from jax.experimental.pallas import tpu as pltpu
from jax.experimental.pallas import tpu_sc as plsc

N = 1_000_000
LANES = 16
NC = 2
NW = NC * 16

NBLK_TC = 4
M = 786_432
BLK_TC = M // NBLK_TC
S = N - M
CHUNK = 64 * (S // (NW * 64))
NB_SC = 2
B_SC = CHUNK // NB_SC
TAIL = S - NW * CHUNK
TAIL_BASE = N - TAIL


def _hc_vec(a, u):
    g = jnp.exp(-a) * (1.0 - u) / u
    i = lax.bitcast_convert_type(g, jnp.int32)
    i = jnp.int32(0x5F3759DF) - lax.shift_right_logical(i, 1)
    y = lax.bitcast_convert_type(i, jnp.float32)
    y = y * (1.5 - 0.5 * g * y * y)
    y = y * (1.5 - 0.5 * g * y * y)
    z = g * g * y
    s = (1.1 - 0.1 * z) / (1.0 + z)
    return jnp.clip(s, 0.0, 1.0)


def _tc_body(a_ref, u_ref, o_ref):
    a = a_ref[...]
    u = u_ref[...]
    g = jnp.exp(-a) * (1.0 - u) / u
    z = g * g * lax.rsqrt(g)
    s = (1.1 - 0.1 * z) / (1.0 + z)
    o_ref[...] = jnp.clip(s, 0.0, 1.0)


_tc_kernel = pl.pallas_call(
    _tc_body,
    grid=(NBLK_TC,),
    in_specs=[
        pl.BlockSpec((BLK_TC,), lambda i: (i,)),
        pl.BlockSpec((BLK_TC,), lambda i: (i,)),
    ],
    out_specs=pl.BlockSpec((BLK_TC,), lambda i: (i,)),
    out_shape=jax.ShapeDtypeStruct((N,), jnp.float32),
)


_mesh = plsc.VectorSubcoreMesh(core_axis_name="c", subcore_axis_name="s",
                               num_cores=NC)


@functools.partial(
    pl.kernel,
    mesh=_mesh,
    out_type=jax.ShapeDtypeStruct((S,), jnp.float32),
    scratch_types=[
        pltpu.VMEM((B_SC,), jnp.float32),
        pltpu.VMEM((B_SC,), jnp.float32),
        pltpu.VMEM((B_SC,), jnp.float32),
        pltpu.VMEM((B_SC,), jnp.float32),
        pltpu.VMEM((B_SC,), jnp.float32),
        pltpu.VMEM((B_SC,), jnp.float32),
        pltpu.VMEM((TAIL,), jnp.float32),
        pltpu.VMEM((TAIL,), jnp.float32),
        pltpu.VMEM((TAIL,), jnp.float32),
        pltpu.SemaphoreType.DMA,
        pltpu.SemaphoreType.DMA,
        pltpu.SemaphoreType.DMA,
        pltpu.SemaphoreType.DMA,
    ],
)
def _sc_kernel(a_hbm, u_hbm, o_hbm,
               a_v0, a_v1, u_v0, u_v1, o_v0, o_v1,
               at_v, ut_v, ot_v,
               sin0, sin1, sout0, sout1):
    wid = lax.axis_index("s") * NC + lax.axis_index("c")
    base = M + wid * CHUNK
    obase = wid * CHUNK
    a_v = (a_v0, a_v1)
    u_v = (u_v0, u_v1)
    o_v = (o_v0, o_v1)
    sin = (sin0, sin1)
    sout = (sout0, sout1)

    def in_copies(k):
        s = k & 1
        ca = pltpu.make_async_copy(a_hbm.at[pl.ds(base + k * B_SC, B_SC)],
                                   a_v[s], sin[s])
        cu = pltpu.make_async_copy(u_hbm.at[pl.ds(base + k * B_SC, B_SC)],
                                   u_v[s], sin[s])
        return ca, cu

    def out_copy(k):
        s = k & 1
        return pltpu.make_async_copy(o_v[s],
                                     o_hbm.at[pl.ds(obase + k * B_SC, B_SC)],
                                     sout[s])

    for c in in_copies(0):
        c.start()
    for c in in_copies(1):
        c.start()

    for k in range(NB_SC):
        s = k & 1
        for c in in_copies(k):
            c.wait()
        if k >= 2:
            out_copy(k - 2).wait()

        @plsc.parallel_loop(0, B_SC, step=LANES, unroll=8)
        def _compute(i):
            sl = pl.ds(i, LANES)
            o_v[s][sl] = _hc_vec(a_v[s][sl], u_v[s][sl])

        out_copy(k).start()
        if k + 2 < NB_SC:
            for c in in_copies(k + 2):
                c.start()

    out_copy(NB_SC - 2).wait()
    out_copy(NB_SC - 1).wait()

    @pl.when(wid == 0)
    def _tail():
        pltpu.sync_copy(a_hbm.at[pl.ds(TAIL_BASE, TAIL)], at_v)
        pltpu.sync_copy(u_hbm.at[pl.ds(TAIL_BASE, TAIL)], ut_v)

        @plsc.parallel_loop(0, TAIL, step=LANES, unroll=4)
        def _tcomp(j):
            sl = pl.ds(j, LANES)
            ot_v[sl] = _hc_vec(at_v[sl], ut_v[sl])

        pltpu.sync_copy(ot_v, o_hbm.at[pl.ds(S - TAIL, TAIL)])


def kernel(log_alpha, u, current_iter):
    sc_out = _sc_kernel(log_alpha, u)
    tc_out = _tc_kernel(log_alpha, u)
    return lax.dynamic_update_slice(tc_out, sc_out, (M,))

# --- scband reference (transcript-rebuilt; emitter-appended) ---
"""Pipeline reference for scband-hard-concrete-49039936585897 (READ-ONLY COPY).

The authoritative reference and input builder live on the scoring server;
editing this copy changes nothing except your own understanding.
"""

import math
import jax, jax.numpy as jnp
import numpy as np

N_IN = 1000000
INIT_MEAN = 0.5
INIT_STD = 0.01
BETA = 2.0 / 3.0
STRETCH = 0.1
LIMIT_L = -STRETCH
LIMIT_R = 1.0 + STRETCH
EPS = 1e-06


def setup_inputs(seed: int = 0) -> dict:
    key = jax.random.key(seed)
    k1, k2 = jax.random.split(key)
    # reset_parameters: log_alpha ~ Normal(logit(1-init_mean), init_std)
    mean = math.log(1.0 - INIT_MEAN) - math.log(INIT_MEAN)  # = 0.0 for init_mean=0.5
    log_alpha = mean + INIT_STD * jax.random.normal(k1, (N_IN,), dtype=jnp.float32)
    # u ~ Uniform(eps, 1-eps): the stochastic noise drawn inside forward() during training;
    # materialized here so the reference is deterministic.
    u = jax.random.uniform(k2, (N_IN,), dtype=jnp.float32, minval=EPS, maxval=1.0 - EPS)
    return {"log_alpha": log_alpha, "u": u, "current_iter": 0}


def reference(log_alpha, u, current_iter=0):
    # update_temperature(0): beta = max(initial * decay**0, min_temp) = initial -> unchanged.
    beta = BETA
    # training-mode forward path (nn.Module default is training=True)
    s = jax.nn.sigmoid((jnp.log(u / (1.0 - u)) + log_alpha) / beta)
    s = s * (LIMIT_R - LIMIT_L) + LIMIT_L
    mask = jnp.clip(s, 0.0, 1.0)
    return mask

if __name__ == "__main__":
    import jax
    _d = setup_inputs()
    print(jax.jit(kernel)(*tuple(_d.values())))

</pallas_src>

<mosaic_0001>
#map = affine_map<(d0, d1) -> (0)>
module attributes {stable_mosaic.version = 14 : i64} {
  func.func @_sc_kernel(%arg0: i32, %arg1: i32, %arg2: memref<1000000xf32, #tpu.memory_space<hbm>>, %arg3: memref<1000000xf32, #tpu.memory_space<hbm>>, %arg4: memref<213568xf32, #tpu.memory_space<hbm>>, %arg5: memref<3328xf32, #tpu.memory_space<vmem>>, %arg6: memref<3328xf32, #tpu.memory_space<vmem>>, %arg7: memref<3328xf32, #tpu.memory_space<vmem>>, %arg8: memref<3328xf32, #tpu.memory_space<vmem>>, %arg9: memref<3328xf32, #tpu.memory_space<vmem>>, %arg10: memref<3328xf32, #tpu.memory_space<vmem>>, %arg11: memref<576xf32, #tpu.memory_space<vmem>>, %arg12: memref<576xf32, #tpu.memory_space<vmem>>, %arg13: memref<576xf32, #tpu.memory_space<vmem>>, %arg14: memref<!tpu.dma_semaphore, #tpu.memory_space<semaphore_mem>>, %arg15: memref<!tpu.dma_semaphore, #tpu.memory_space<semaphore_mem>>, %arg16: memref<!tpu.dma_semaphore, #tpu.memory_space<semaphore_mem>>, %arg17: memref<!tpu.dma_semaphore, #tpu.memory_space<semaphore_mem>>) attributes {dimension_semantics = [#tpu.dimension_semantics<core_parallel>, #tpu.dimension_semantics<subcore_parallel>], iteration_bounds = array<i64: 2, 16>, scalar_prefetch = 0 : i64, scratch_operands = 13 : i64, tpu.core_type = #tpu.core_type<sc_vector_subcore>, window_params = [{transform_indices = #map}, {transform_indices = #map}, {transform_indices = #map}]} {
    %mul3A = arith.constant 2 : i32
    %mul3A_0 = arith.muli %arg1, %mul3A : i32
    %add3A = arith.addi %mul3A_0, %arg0 : i32
    %mul3A_1 = arith.constant 6656 : i32
    %mul3A_2 = arith.muli %add3A, %mul3A_1 : i32
    %add3A_3 = arith.constant 786432 : i32
    %add3A_4 = arith.addi %add3A_3, %mul3A_2 : i32
    %mul3A_5 = arith.constant 6656 : i32
    %mul3A_6 = arith.muli %add3A, %mul3A_5 : i32
    %add3A_7 = arith.constant 0 : i32
    %add3A_8 = arith.addi %add3A_4, %add3A_7 : i32
    %add3A_9 = arith.constant 0 : i32
    %add3A_10 = arith.addi %add3A_4, %add3A_9 : i32
    %dma_start3A = tpu.memref_slice %arg2[%add3A_8] : memref<1000000xf32, #tpu.memory_space<hbm>> -> memref<3328xf32, #tpu.memory_space<hbm>>
    %dma_start3A_11 = tpu.memref_slice %arg2[%add3A_8] : memref<1000000xf32, #tpu.memory_space<hbm>> -> memref<3328xf32, #tpu.memory_space<hbm>>
    tpu.enqueue_dma source(%dma_start3A_11 : memref<3328xf32, #tpu.memory_space<hbm>>) target(%arg5 : memref<3328xf32, #tpu.memory_space<vmem>>) target_semaphore(%arg14 : memref<!tpu.dma_semaphore, #tpu.memory_space<semaphore_mem>>)
    %dma_start3A_12 = tpu.memref_slice %arg3[%add3A_10] : memref<1000000xf32, #tpu.memory_space<hbm>> -> memref<3328xf32, #tpu.memory_space<hbm>>
    %dma_start3A_13 = tpu.memref_slice %arg3[%add3A_10] : memref<1000000xf32, #tpu.memory_space<hbm>> -> memref<3328xf32, #tpu.memory_space<hbm>>
    tpu.enqueue_dma source(%dma_start3A_13 : memref<3328xf32, #tpu.memory_space<hbm>>) target(%arg7 : memref<3328xf32, #tpu.memory_space<vmem>>) target_semaphore(%arg14 : memref<!tpu.dma_semaphore, #tpu.memory_space<semaphore_mem>>)
    %add3A_14 = arith.constant 3328 : i32
    %add3A_15 = arith.addi %add3A_4, %add3A_14 : i32
    %add3A_16 = arith.constant 3328 : i32
    %add3A_17 = arith.addi %add3A_4, %add3A_16 : i32
    %dma_start3A_18 = tpu.memref_slice %arg2[%add3A_15] : memref<1000000xf32, #tpu.memory_space<hbm>> -> memref<3328xf32, #tpu.memory_space<hbm>>
    %dma_start3A_19 = tpu.memref_slice %arg2[%add3A_15] : memref<1000000xf32, #tpu.memory_space<hbm>> -> memref<3328xf32, #tpu.memory_space<hbm>>
    tpu.enqueue_dma source(%dma_start3A_19 : memref<3328xf32, #tpu.memory_space<hbm>>) target(%arg6 : memref<3328xf32, #tpu.memory_space<vmem>>) target_semaphore(%arg15 : memref<!tpu.dma_semaphore, #tpu.memory_space<semaphore_mem>>)
    %dma_start3A_20 = tpu.memref_slice %arg3[%add3A_17] : memref<1000000xf32, #tpu.memory_space<hbm>> -> memref<3328xf32, #tpu.memory_space<hbm>>
    %dma_start3A_21 = tpu.memref_slice %arg3[%add3A_17] : memref<1000000xf32, #tpu.memory_space<hbm>> -> memref<3328xf32, #tpu.memory_space<hbm>>
    tpu.enqueue_dma source(%dma_start3A_21 : memref<3328xf32, #tpu.memory_space<hbm>>) target(%arg8 : memref<3328xf32, #tpu.memory_space<vmem>>) target_semaphore(%arg15 : memref<!tpu.dma_semaphore, #tpu.memory_space<semaphore_mem>>)
    %add3A_22 = arith.constant 0 : i32
    %add3A_23 = arith.addi %add3A_4, %add3A_22 : i32
    %add3A_24 = arith.constant 0 : i32
    %add3A_25 = arith.addi %add3A_4, %add3A_24 : i32
    %dma_wait3A = tpu.memref_slice %arg2[%add3A_23] : memref<1000000xf32, #tpu.memory_space<hbm>> -> memref<3328xf32, #tpu.memory_space<hbm>>
    %dma_wait3A_26 = tpu.memref_slice %arg2[%add3A_23] : memref<1000000xf32, #tpu.memory_space<hbm>> -> memref<3328xf32, #tpu.memory_space<hbm>>
    tpu.wait_dma2 semaphore(%arg14 : memref<!tpu.dma_semaphore, #tpu.memory_space<semaphore_mem>>) src(%dma_wait3A_26 : memref<3328xf32, #tpu.memory_space<hbm>>) dst(%arg5 : memref<3328xf32, #tpu.memory_space<vmem>>)
    %dma_wait3A_27 = tpu.memref_slice %arg3[%add3A_25] : memref<1000000xf32, #tpu.memory_space<hbm>> -> memref<3328xf32, #tpu.memory_space<hbm>>
    %dma_wait3A_28 = tpu.memref_slice %arg3[%add3A_25] : memref<1000000xf32, #tpu.memory_space<hbm>> -> memref<3328xf32, #tpu.memory_space<hbm>>
    tpu.wait_dma2 semaphore(%arg14 : memref<!tpu.dma_semaphore, #tpu.memory_space<semaphore_mem>>) src(%dma_wait3A_28 : memref<3328xf32, #tpu.memory_space<hbm>>) dst(%arg7 : memref<3328xf32, #tpu.memory_space<vmem>>)
    %parallel_loop3A = arith.constant 0 : i32
    %parallel_loop3A_29 = arith.constant 3328 : i32
    %parallel_loop3A_30 = arith.constant 16 : i32
    scf.for %parallel_loop3A_60 = %parallel_loop3A to %parallel_loop3A_29 step %parallel_loop3A_30  : i32 {
      %parallel_loop3A_61 = arith.index_cast %parallel_loop3A_60 : i32 to index
      %parallel_loop3A_62 = tpu.vector_load %arg5[%parallel_loop3A_61] {strides = array<i32>} : memref<3328xf32, #tpu.memory_space<vmem>>, vector<16xf32>,
      %parallel_loop3A_63 = vector.shape_cast %parallel_loop3A_62 : vector<16xf32> to vector<16xf32>
      %parallel_loop3A_64 = arith.index_cast %parallel_loop3A_60 : i32 to index
      %parallel_loop3A_65 = tpu.vector_load %arg7[%parallel_loop3A_64] {strides = array<i32>} : memref<3328xf32, #tpu.memory_space<vmem>>, vector<16xf32>,
      %parallel_loop3A_66 = vector.shape_cast %parallel_loop3A_65 : vector<16xf32> to vector<16xf32>
      %parallel_loop3A_67 = arith.constant 0.000000e+00 : f32
      %parallel_loop3A_68 = vector.broadcast %parallel_loop3A_67 : f32 to vector<16xf32>
      %parallel_loop3A_69 = arith.subf %parallel_loop3A_68, %parallel_loop3A_63 : vector<16xf32>
      %parallel_loop3A_70 = math.exp %parallel_loop3A_69 : vector<16xf32>
      %parallel_loop3A_71 = arith.constant 1.000000e+00 : f32
      %parallel_loop3A_72 = vector.broadcast %parallel_loop3A_71 : f32 to vector<16xf32>
      %parallel_loop3A_73 = arith.subf %parallel_loop3A_72, %parallel_loop3A_66 : vector<16xf32>
      %parallel_loop3A_74 = arith.mulf %parallel_loop3A_70, %parallel_loop3A_73 : vector<16xf32>
      %parallel_loop3A_75 = arith.divf %parallel_loop3A_74, %parallel_loop3A_66 : vector<16xf32>
      %parallel_loop3A_76 = tpu.bitcast %parallel_loop3A_75 : vector<16xf32> -> vector<16xi32>
      %parallel_loop3A_77 = arith.constant 1 : i32
      %parallel_loop3A_78 = vector.broadcast %parallel_loop3A_77 : i32 to vector<16xi32>
      %parallel_loop3A_79 = arith.shrui %parallel_loop3A_76, %parallel_loop3A_78 : vector<16xi32>
      %parallel_loop3A_80 = arith.constant 1597463007 : i32
      %parallel_loop3A_81 = vector.broadcast %parallel_loop3A_80 : i32 to vector<16xi32>
      %parallel_loop3A_82 = arith.subi %parallel_loop3A_81, %parallel_loop3A_79 : vector<16xi32>
      %parallel_loop3A_83 = tpu.bitcast %parallel_loop3A_82 : vector<16xi32> -> vector<16xf32>
      %parallel_loop3A_84 = arith.constant 5.000000e-01 : f32
      %parallel_loop3A_85 = vector.broadcast %parallel_loop3A_84 : f32 to vector<16xf32>
      %parallel_loop3A_86 = arith.mulf %parallel_loop3A_85, %parallel_loop3A_75 : vector<16xf32>
      %parallel_loop3A_87 = arith.mulf %parallel_loop3A_86, %parallel_loop3A_83 : vector<16xf32>
      %parallel_loop3A_88 = arith.mulf %parallel_loop3A_87, %parallel_loop3A_83 : vector<16xf32>
      %parallel_loop3A_89 = arith.constant 1.500000e+00 : f32
      %parallel_loop3A_90 = vector.broadcast %parallel_loop3A_89 : f32 to vector<16xf32>
      %parallel_loop3A_91 = arith.subf %parallel_loop3A_90, %parallel_loop3A_88 : vector<16xf32>
      %parallel_loop3A_92 = arith.mulf %parallel_loop3A_83, %parallel_loop3A_91 : vector<16xf32>
      %parallel_loop3A_93 = arith.constant 5.000000e-01 : f32
      %parallel_loop3A_94 = vector.broadcast %parallel_loop3A_93 : f32 to vector<16xf32>
      %parallel_loop3A_95 = arith.mulf %parallel_loop3A_94, %parallel_loop3A_75 : vector<16xf32>
      %parallel_loop3A_96 = arith.mulf %parallel_loop3A_95, %parallel_loop3A_92 : vector<16xf32>
      %parallel_loop3A_97 = arith.mulf %parallel_loop3A_96, %parallel_loop3A_92 : vector<16xf32>
      %parallel_loop3A_98 = arith.constant 1.500000e+00 : f32
      %parallel_loop3A_99 = vector.broadcast %parallel_loop3A_98 : f32 to vector<16xf32>
      %parallel_loop3A_100 = arith.subf %parallel_loop3A_99, %parallel_loop3A_97 : vector<16xf32>
      %parallel_loop3A_101 = arith.mulf %parallel_loop3A_92, %parallel_loop3A_100 : vector<16xf32>
      %parallel_loop3A_102 = arith.mulf %parallel_loop3A_75, %parallel_loop3A_75 : vector<16xf32>
      %parallel_loop3A_103 = arith.mulf %parallel_loop3A_102, %parallel_loop3A_101 : vector<16xf32>
      %parallel_loop3A_104 = arith.constant 1.000000e-01 : f32
      %parallel_loop3A_105 = vector.broadcast %parallel_loop3A_104 : f32 to vector<16xf32>
      %parallel_loop3A_106 = arith.mulf %parallel_loop3A_105, %parallel_loop3A_103 : vector<16xf32>
      %parallel_loop3A_107 = arith.constant 1.100000e+00 : f32
      %parallel_loop3A_108 = vector.broadcast %parallel_loop3A_107 : f32 to vector<16xf32>
      %parallel_loop3A_109 = arith.subf %parallel_loop3A_108, %parallel_loop3A_106 : vector<16xf32>
      %parallel_loop3A_110 = arith.constant 1.000000e+00 : f32
      %parallel_loop3A_111 = vector.broadcast %parallel_loop3A_110 : f32 to vector<16xf32>
      %parallel_loop3A_112 = arith.addf %parallel_loop3A_111, %parallel_loop3A_103 : vector<16xf32>
      %parallel_loop3A_113 = arith.divf %parallel_loop3A_109, %parallel_loop3A_112 : vector<16xf32>
      %parallel_loop3A_114 = arith.constant 0.000000e+00 : f32
      %parallel_loop3A_115 = arith.constant 1.000000e+00 : f32
      %parallel_loop3A_116 = vector.broadcast %parallel_loop3A_114 : f32 to vector<16xf32>
      %parallel_loop3A_117 = arith.maximumf %parallel_loop3A_116, %parallel_loop3A_113 : vector<16xf32>
      %parallel_loop3A_118 = vector.broadcast %parallel_loop3A_115 : f32 to vector<16xf32>
      %parallel_loop3A_119 = arith.minimumf %parallel_loop3A_118, %parallel_loop3A_117 : vector<16xf32>
      %parallel_loop3A_120 = arith.index_cast %parallel_loop3A_60 : i32 to index
      %parallel_loop3A_121 = tpu.vector_load %arg9[%parallel_loop3A_120] {strides = array<i32>} : memref<3328xf32, #tpu.memory_space<vmem>>, vector<16xf32>,
      %parallel_loop3A_122 = vector.shape_cast %parallel_loop3A_121 : vector<16xf32> to vector<16xf32>
      %parallel_loop3A_123 = vector.shape_cast %parallel_loop3A_119 : vector<16xf32> to vector<16xf32>
      tpu.vector_store %arg9[%parallel_loop3A_120], %parallel_loop3A_123 {strides = array<i32>} : memref<3328xf32, #tpu.memory_space<vmem>>, vector<16xf32>,
    } {sc.loop_unroll_factor = 8 : i64, sc.parallel_access}
    %add3A_31 = arith.constant 0 : i32
    %add3A_32 = arith.addi %mul3A_6, %add3A_31 : i32
    %dma_start3A_33 = tpu.memref_slice %arg4[%add3A_32] : memref<213568xf32, #tpu.memory_space<hbm>> -> memref<3328xf32, #tpu.memory_space<hbm>>
    %dma_start3A_34 = tpu.memref_slice %arg4[%add3A_32] : memref<213568xf32, #tpu.memory_space<hbm>> -> memref<3328xf32, #tpu.memory_space<hbm>>
    tpu.enqueue_dma source(%arg9 : memref<3328xf32, #tpu.memory_space<vmem>>) target(%dma_start3A_34 : memref<3328xf32, #tpu.memory_space<hbm>>) target_semaphore(%arg16 : memref<!tpu.dma_semaphore, #tpu.memory_space<semaphore_mem>>)
    %add3A_35 = arith.constant 3328 : i32
    %add3A_36 = arith.addi %add3A_4, %add3A_35 : i32
    %add3A_37 = arith.constant 3328 : i32
    %add3A_38 = arith.addi %add3A_4, %add3A_37 : i32
    %dma_wait3A_39 = tpu.memref_slice %arg2[%add3A_36] : memref<1000000xf32, #tpu.memory_space<hbm>> -> memref<3328xf32, #tpu.memory_space<hbm>>
    %dma_wait3A_40 = tpu.memref_slice %arg2[%add3A_36] : memref<1000000xf32, #tpu.memory_space<hbm>> -> memref<3328xf32, #tpu.memory_space<hbm>>
    tpu.wait_dma2 semaphore(%arg15 : memref<!tpu.dma_semaphore, #tpu.memory_space<semaphore_mem>>) src(%dma_wait3A_40 : memref<3328xf32, #tpu.memory_space<hbm>>) dst(%arg6 : memref<3328xf32, #tpu.memory_space<vmem>>)
    %dma_wait3A_41 = tpu.memref_slice %arg3[%add3A_38] : memref<1000000xf32, #tpu.memory_space<hbm>> -> memref<3328xf32, #tpu.memory_space<hbm>>
    %dma_wait3A_42 = tpu.memref_slice %arg3[%add3A_38] : memref<1000000xf32, #tpu.memory_space<hbm>> -> memref<3328xf32, #tpu.memory_space<hbm>>
    tpu.wait_dma2 semaphore(%arg15 : memref<!tpu.dma_semaphore, #tpu.memory_space<semaphore_mem>>) src(%dma_wait3A_42 : memref<3328xf32, #tpu.memory_space<hbm>>) dst(%arg8 : memref<3328xf32, #tpu.memory_space<vmem>>)
    %parallel_loop3A_43 = arith.constant 0 : i32
    %parallel_loop3A_44 = arith.constant 3328 : i32
    %parallel_loop3A_45 = arith.constant 16 : i32
    scf.for %parallel_loop3A_60 = %parallel_loop3A_43 to %parallel_loop3A_44 step %parallel_loop3A_45  : i32 {
      %parallel_loop3A_61 = arith.index_cast %parallel_loop3A_60 : i32 to index
      %parallel_loop3A_62 = tpu.vector_load %arg6[%parallel_loop3A_61] {strides = array<i32>} : memref<3328xf32, #tpu.memory_space<vmem>>, vector<16xf32>,
      %parallel_loop3A_63 = vector.shape_cast %parallel_loop3A_62 : vector<16xf32> to vector<16xf32>
      %parallel_loop3A_64 = arith.index_cast %parallel_loop3A_60 : i32 to index
      %parallel_loop3A_65 = tpu.vector_load %arg8[%parallel_loop3A_64] {strides = array<i32>} : memref<3328xf32, #tpu.memory_space<vmem>>, vector<16xf32>,
      %parallel_loop3A_66 = vector.shape_cast %parallel_loop3A_65 : vector<16xf32> to vector<16xf32>
      %parallel_loop3A_67 = arith.constant 0.000000e+00 : f32
      %parallel_loop3A_68 = vector.broadcast %parallel_loop3A_67 : f32 to vector<16xf32>
      %parallel_loop3A_69 = arith.subf %parallel_loop3A_68, %parallel_loop3A_63 : vector<16xf32>
      %parallel_loop3A_70 = math.exp %parallel_loop3A_69 : vector<16xf32>
      %parallel_loop3A_71 = arith.constant 1.000000e+00 : f32
      %parallel_loop3A_72 = vector.broadcast %parallel_loop3A_71 : f32 to vector<16xf32>
      %parallel_loop3A_73 = arith.subf %parallel_loop3A_72, %parallel_loop3A_66 : vector<16xf32>
      %parallel_loop3A_74 = arith.mulf %parallel_loop3A_70, %parallel_loop3A_73 : vector<16xf32>
      %parallel_loop3A_75 = arith.divf %parallel_loop3A_74, %parallel_loop3A_66 : vector<16xf32>
      %parallel_loop3A_76 = tpu.bitcast %parallel_loop3A_75 : vector<16xf32> -> vector<16xi32>
      %parallel_loop3A_77 = arith.constant 1 : i32
      %parallel_loop3A_78 = vector.broadcast %parallel_loop3A_77 : i32 to vector<16xi32>
      %parallel_loop3A_79 = arith.shrui %parallel_loop3A_76, %parallel_loop3A_78 : vector<16xi32>
      %parallel_loop3A_80 = arith.constant 1597463007 : i32
      %parallel_loop3A_81 = vector.broadcast %parallel_loop3A_80 : i32 to vector<16xi32>
      %parallel_loop3A_82 = arith.subi %parallel_loop3A_81, %parallel_loop3A_79 : vector<16xi32>
      %parallel_loop3A_83 = tpu.bitcast %parallel_loop3A_82 : vector<16xi32> -> vector<16xf32>
      %parallel_loop3A_84 = arith.constant 5.000000e-01 : f32
      %parallel_loop3A_85 = vector.broadcast %parallel_loop3A_84 : f32 to vector<16xf32>
      %parallel_loop3A_86 = arith.mulf %parallel_loop3A_85, %parallel_loop3A_75 : vector<16xf32>
      %parallel_loop3A_87 = arith.mulf %parallel_loop3A_86, %parallel_loop3A_83 : vector<16xf32>
      %parallel_loop3A_88 = arith.mulf %parallel_loop3A_87, %parallel_loop3A_83 : vector<16xf32>
      %parallel_loop3A_89 = arith.constant 1.500000e+00 : f32
      %parallel_loop3A_90 = vector.broadcast %parallel_loop3A_89 : f32 to vector<16xf32>
      %parallel_loop3A_91 = arith.subf %parallel_loop3A_90, %parallel_loop3A_88 : vector<16xf32>
      %parallel_loop3A_92 = arith.mulf %parallel_loop3A_83, %parallel_loop3A_91 : vector<16xf32>
      %parallel_loop3A_93 = arith.constant 5.000000e-01 : f32
      %parallel_loop3A_94 = vector.broadcast %parallel_loop3A_93 : f32 to vector<16xf32>
      %parallel_loop3A_95 = arith.mulf %parallel_loop3A_94, %parallel_loop3A_75 : vector<16xf32>
      %parallel_loop3A_96 = arith.mulf %parallel_loop3A_95, %parallel_loop3A_92 : vector<16xf32>
      %parallel_loop3A_97 = arith.mulf %parallel_loop3A_96, %parallel_loop3A_92 : vector<16xf32>
      %parallel_loop3A_98 = arith.constant 1.500000e+00 : f32
      %parallel_loop3A_99 = vector.broadcast %parallel_loop3A_98 : f32 to vector<16xf32>
      %parallel_loop3A_100 = arith.subf %parallel_loop3A_99, %parallel_loop3A_97 : vector<16xf32>
      %parallel_loop3A_101 = arith.mulf %parallel_loop3A_92, %parallel_loop3A_100 : vector<16xf32>
      %parallel_loop3A_102 = arith.mulf %parallel_loop3A_75, %parallel_loop3A_75 : vector<16xf32>
      %parallel_loop3A_103 = arith.mulf %parallel_loop3A_102, %parallel_loop3A_101 : vector<16xf32>
      %parallel_loop3A_104 = arith.constant 1.000000e-01 : f32
      %parallel_loop3A_105 = vector.broadcast %parallel_loop3A_104 : f32 to vector<16xf32>
      %parallel_loop3A_106 = arith.mulf %parallel_loop3A_105, %parallel_loop3A_103 : vector<16xf32>
      %parallel_loop3A_107 = arith.constant 1.100000e+00 : f32
      %parallel_loop3A_108 = vector.broadcast %parallel_loop3A_107 : f32 to vector<16xf32>
      %parallel_loop3A_109 = arith.subf %parallel_loop3A_108, %parallel_loop3A_106 : vector<16xf32>
      %parallel_loop3A_110 = arith.constant 1.000000e+00 : f32
      %parallel_loop3A_111 = vector.broadcast %parallel_loop3A_110 : f32 to vector<16xf32>
      %parallel_loop3A_112 = arith.addf %parallel_loop3A_111, %parallel_loop3A_103 : vector<16xf32>
      %parallel_loop3A_113 = arith.divf %parallel_loop3A_109, %parallel_loop3A_112 : vector<16xf32>
      %parallel_loop3A_114 = arith.constant 0.000000e+00 : f32
      %parallel_loop3A_115 = arith.constant 1.000000e+00 : f32
      %parallel_loop3A_116 = vector.broadcast %parallel_loop3A_114 : f32 to vector<16xf32>
      %parallel_loop3A_117 = arith.maximumf %parallel_loop3A_116, %parallel_loop3A_113 : vector<16xf32>
      %parallel_loop3A_118 = vector.broadcast %parallel_loop3A_115 : f32 to vector<16xf32>
      %parallel_loop3A_119 = arith.minimumf %parallel_loop3A_118, %parallel_loop3A_117 : vector<16xf32>
      %parallel_loop3A_120 = arith.index_cast %parallel_loop3A_60 : i32 to index
      %parallel_loop3A_121 = tpu.vector_load %arg10[%parallel_loop3A_120] {strides = array<i32>} : memref<3328xf32, #tpu.memory_space<vmem>>, vector<16xf32>,
      %parallel_loop3A_122 = vector.shape_cast %parallel_loop3A_121 : vector<16xf32> to vector<16xf32>
      %parallel_loop3A_123 = vector.shape_cast %parallel_loop3A_119 : vector<16xf32> to vector<16xf32>
      tpu.vector_store %arg10[%parallel_loop3A_120], %parallel_loop3A_123 {strides = array<i32>} : memref<3328xf32, #tpu.memory_space<vmem>>, vector<16xf32>,
    } {sc.loop_unroll_factor = 8 : i64, sc.parallel_access}
    %add3A_46 = arith.constant 3328 : i32
    %add3A_47 = arith.addi %mul3A_6, %add3A_46 : i32
    %dma_start3A_48 = tpu.memref_slice %arg4[%add3A_47] : memref<213568xf32, #tpu.memory_space<hbm>> -> memref<3328xf32, #tpu.memory_space<hbm>>
    %dma_start3A_49 = tpu.memref_slice %arg4[%add3A_47] : memref<213568xf32, #tpu.memory_space<hbm>> -> memref<3328xf32, #tpu.memory_space<hbm>>
    tpu.enqueue_dma source(%arg10 : memref<3328xf32, #tpu.memory_space<vmem>>) target(%dma_start3A_49 : memref<3328xf32, #tpu.memory_space<hbm>>) target_semaphore(%arg17 : memref<!tpu.dma_semaphore, #tpu.memory_space<semaphore_mem>>)
    %add3A_50 = arith.constant 0 : i32
    %add3A_51 = arith.addi %mul3A_6, %add3A_50 : i32
    %dma_wait3A_52 = tpu.memref_slice %arg4[%add3A_51] : memref<213568xf32, #tpu.memory_space<hbm>> -> memref<3328xf32, #tpu.memory_space<hbm>>
    %dma_wait3A_53 = tpu.memref_slice %arg4[%add3A_51] : memref<213568xf32, #tpu.memory_space<hbm>> -> memref<3328xf32, #tpu.memory_space<hbm>>
    tpu.wait_dma2 semaphore(%arg16 : memref<!tpu.dma_semaphore, #tpu.memory_space<semaphore_mem>>) src(%arg9 : memref<3328xf32, #tpu.memory_space<vmem>>) dst(%dma_wait3A_53 : memref<3328xf32, #tpu.memory_space<hbm>>)
    %add3A_54 = arith.constant 3328 : i32
    %add3A_55 = arith.addi %mul3A_6, %add3A_54 : i32
    %dma_wait3A_56 = tpu.memref_slice %arg4[%add3A_55] : memref<213568xf32, #tpu.memory_space<hbm>> -> memref<3328xf32, #tpu.memory_space<hbm>>
    %dma_wait3A_57 = tpu.memref_slice %arg4[%add3A_55] : memref<213568xf32, #tpu.memory_space<hbm>> -> memref<3328xf32, #tpu.memory_space<hbm>>
    tpu.wait_dma2 semaphore(%arg17 : memref<!tpu.dma_semaphore, #tpu.memory_space<semaphore_mem>>) src(%arg10 : memref<3328xf32, #tpu.memory_space<vmem>>) dst(%dma_wait3A_57 : memref<3328xf32, #tpu.memory_space<hbm>>)
    %eq3A = arith.constant 0 : i32
    %eq3A_58 = arith.cmpi eq, %add3A, %eq3A : i32
    %convert_element_type3A = arith.extui %eq3A_58 : i1 to i32
    %cond3A = arith.constant 0 : i32
    %cond3A_59 = arith.cmpi ne, %convert_element_type3A, %cond3A : i32
    scf.if %cond3A_59 {
      "tpu.region"() ({
        %run_scoped3A = tpu.sem_alloc : memref<!tpu.dma_semaphore, #tpu.memory_space<semaphore_mem>>
        %dma_start3A_63 = arith.constant 999424 : i32
        %dma_start3A_64 = tpu.memref_slice %arg2[%dma_start3A_63] : memref<1000000xf32, #tpu.memory_space<hbm>> -> memref<576xf32, #tpu.memory_space<hbm>>
        %dma_start3A_65 = arith.constant 999424 : i32
        %dma_start3A_66 = tpu.memref_slice %arg2[%dma_start3A_65] : memref<1000000xf32, #tpu.memory_space<hbm>> -> memref<576xf32, #tpu.memory_space<hbm>>
        tpu.enqueue_dma source(%dma_start3A_66 : memref<576xf32, #tpu.memory_space<hbm>>) target(%arg11 : memref<576xf32, #tpu.memory_space<vmem>>) target_semaphore(%run_scoped3A : memref<!tpu.dma_semaphore, #tpu.memory_space<semaphore_mem>>)
        %dma_wait3A_67 = arith.constant 999424 : i32
        %dma_wait3A_68 = tpu.memref_slice %arg2[%dma_wait3A_67] : memref<1000000xf32, #tpu.memory_space<hbm>> -> memref<576xf32, #tpu.memory_space<hbm>>
        %dma_wait3A_69 = arith.constant 999424 : i32
        %dma_wait3A_70 = tpu.memref_slice %arg2[%dma_wait3A_69] : memref<1000000xf32, #tpu.memory_space<hbm>> -> memref<576xf32, #tpu.memory_space<hbm>>
        tpu.wait_dma2 semaphore(%run_scoped3A : memref<!tpu.dma_semaphore, #tpu.memory_space<semaphore_mem>>) src(%dma_wait3A_70 : memref<576xf32, #tpu.memory_space<hbm>>) dst(%arg11 : memref<576xf32, #tpu.memory_space<vmem>>)
        tpu.yield
      }) : () -> ()
      "tpu.region"() ({
        %run_scoped3A = tpu.sem_alloc : memref<!tpu.dma_semaphore, #tpu.memory_space<semaphore_mem>>
        %dma_start3A_63 = arith.constant 999424 : i32
        %dma_start3A_64 = tpu.memref_slice %arg3[%dma_start3A_63] : memref<1000000xf32, #tpu.memory_space<hbm>> -> memref<576xf32, #tpu.memory_space<hbm>>
        %dma_start3A_65 = arith.constant 999424 : i32
        %dma_start3A_66 = tpu.memref_slice %arg3[%dma_start3A_65] : memref<1000000xf32, #tpu.memory_space<hbm>> -> memref<576xf32, #tpu.memory_space<hbm>>
        tpu.enqueue_dma source(%dma_start3A_66 : memref<576xf32, #tpu.memory_space<hbm>>) target(%arg12 : memref<576xf32, #tpu.memory_space<vmem>>) target_semaphore(%run_scoped3A : memref<!tpu.dma_semaphore, #tpu.memory_space<semaphore_mem>>)
        %dma_wait3A_67 = arith.constant 999424 : i32
        %dma_wait3A_68 = tpu.memref_slice %arg3[%dma_wait3A_67] : memref<1000000xf32, #tpu.memory_space<hbm>> -> memref<576xf32, #tpu.memory_space<hbm>>
        %dma_wait3A_69 = arith.constant 999424 : i32
        %dma_wait3A_70 = tpu.memref_slice %arg3[%dma_wait3A_69] : memref<1000000xf32, #tpu.memory_space<hbm>> -> memref<576xf32, #tpu.memory_space<hbm>>
        tpu.wait_dma2 semaphore(%run_scoped3A : memref<!tpu.dma_semaphore, #tpu.memory_space<semaphore_mem>>) src(%dma_wait3A_70 : memref<576xf32, #tpu.memory_space<hbm>>) dst(%arg12 : memref<576xf32, #tpu.memory_space<vmem>>)
        tpu.yield
      }) : () -> ()
      %parallel_loop3A_60 = arith.constant 0 : i32
      %parallel_loop3A_61 = arith.constant 576 : i32
      %parallel_loop3A_62 = arith.constant 16 : i32
      scf.for %parallel_loop3A_63 = %parallel_loop3A_60 to %parallel_loop3A_61 step %parallel_loop3A_62  : i32 {
        %parallel_loop3A_64 = arith.index_cast %parallel_loop3A_63 : i32 to index
        %parallel_loop3A_65 = tpu.vector_load %arg11[%parallel_loop3A_64] {strides = array<i32>} : memref<576xf32, #tpu.memory_space<vmem>>, vector<16xf32>,
        %parallel_loop3A_66 = vector.shape_cast %parallel_loop3A_65 : vector<16xf32> to vector<16xf32>
        %parallel_loop3A_67 = arith.index_cast %parallel_loop3A_63 : i32 to index
        %parallel_loop3A_68 = tpu.vector_load %arg12[%parallel_loop3A_67] {strides = array<i32>} : memref<576xf32, #tpu.memory_space<vmem>>, vector<16xf32>,
        %parallel_loop3A_69 = vector.shape_cast %parallel_loop3A_68 : vector<16xf32> to vector<16xf32>
        %parallel_loop3A_70 = arith.constant 0.000000e+00 : f32
        %parallel_loop3A_71 = vector.broadcast %parallel_loop3A_70 : f32 to vector<16xf32>
        %parallel_loop3A_72 = arith.subf %parallel_loop3A_71, %parallel_loop3A_66 : vector<16xf32>
        %parallel_loop3A_73 = math.exp %parallel_loop3A_72 : vector<16xf32>
        %parallel_loop3A_74 = arith.constant 1.000000e+00 : f32
        %parallel_loop3A_75 = vector.broadcast %parallel_loop3A_74 : f32 to vector<16xf32>
        %parallel_loop3A_76 = arith.subf %parallel_loop3A_75, %parallel_loop3A_69 : vector<16xf32>
        %parallel_loop3A_77 = arith.mulf %parallel_loop3A_73, %parallel_loop3A_76 : vector<16xf32>
        %parallel_loop3A_78 = arith.divf %parallel_loop3A_77, %parallel_loop3A_69 : vector<16xf32>
        %parallel_loop3A_79 = tpu.bitcast %parallel_loop3A_78 : vector<16xf32> -> vector<16xi32>
        %parallel_loop3A_80 = arith.constant 1 : i32
        %parallel_loop3A_81 = vector.broadcast %parallel_loop3A_80 : i32 to vector<16xi32>
        %parallel_loop3A_82 = arith.shrui %parallel_loop3A_79, %parallel_loop3A_81 : vector<16xi32>
        %parallel_loop3A_83 = arith.constant 1597463007 : i32
        %parallel_loop3A_84 = vector.broadcast %parallel_loop3A_83 : i32 to vector<16xi32>
        %parallel_loop3A_85 = arith.subi %parallel_loop3A_84, %parallel_loop3A_82 : vector<16xi32>
        %parallel_loop3A_86 = tpu.bitcast %parallel_loop3A_85 : vector<16xi32> -> vector<16xf32>
        %parallel_loop3A_87 = arith.constant 5.000000e-01 : f32
        %parallel_loop3A_88 = vector.broadcast %parallel_loop3A_87 : f32 to vector<16xf32>
        %parallel_loop3A_89 = arith.mulf %parallel_loop3A_88, %parallel_loop3A_78 : vector<16xf32>
        %parallel_loop3A_90 = arith.mulf %parallel_loop3A_89, %parallel_loop3A_86 : vector<16xf32>
        %parallel_loop3A_91 = arith.mulf %parallel_loop3A_90, %parallel_loop3A_86 : vector<16xf32>
        %parallel_loop3A_92 = arith.constant 1.500000e+00 : f32
        %parallel_loop3A_93 = vector.broadcast %parallel_loop3A_92 : f32 to vector<16xf32>
        %parallel_loop3A_94 = arith.subf %parallel_loop3A_93, %parallel_loop3A_91 : vector<16xf32>
        %parallel_loop3A_95 = arith.mulf %parallel_loop3A_86, %parallel_loop3A_94 : vector<16xf32>
        %parallel_loop3A_96 = arith.constant 5.000000e-01 : f32
        %parallel_loop3A_97 = vector.broadcast %parallel_loop3A_96 : f32 to vector<16xf32>
        %parallel_loop3A_98 = arith.mulf %parallel_loop3A_97, %parallel_loop3A_78 : vector<16xf32>
        %parallel_loop3A_99 = arith.mulf %parallel_loop3A_98, %parallel_loop3A_95 : vector<16xf32>
        %parallel_loop3A_100 = arith.mulf %parallel_loop3A_99, %parallel_loop3A_95 : vector<16xf32>
        %parallel_loop3A_101 = arith.constant 1.500000e+00 : f32
        %parallel_loop3A_102 = vector.broadcast %parallel_loop3A_101 : f32 to vector<16xf32>
        %parallel_loop3A_103 = arith.subf %parallel_loop3A_102, %parallel_loop3A_100 : vector<16xf32>
        %parallel_loop3A_104 = arith.mulf %parallel_loop3A_95, %parallel_loop3A_103 : vector<16xf32>
        %parallel_loop3A_105 = arith.mulf %parallel_loop3A_78, %parallel_loop3A_78 : vector<16xf32>
        %parallel_loop3A_106 = arith.mulf %parallel_loop3A_105, %parallel_loop3A_104 : vector<16xf32>
        %parallel_loop3A_107 = arith.constant 1.000000e-01 : f32
        %parallel_loop3A_108 = vector.broadcast %parallel_loop3A_107 : f32 to vector<16xf32>
        %parallel_loop3A_109 = arith.mulf %parallel_loop3A_108, %parallel_loop3A_106 : vector<16xf32>
        %parallel_loop3A_110 = arith.constant 1.100000e+00 : f32
        %parallel_loop3A_111 = vector.broadcast %parallel_loop3A_110 : f32 to vector<16xf32>
        %parallel_loop3A_112 = arith.subf %parallel_loop3A_111, %parallel_loop3A_109 : vector<16xf32>
        %parallel_loop3A_113 = arith.constant 1.000000e+00 : f32
        %parallel_loop3A_114 = vector.broadcast %parallel_loop3A_113 : f32 to vector<16xf32>
        %parallel_loop3A_115 = arith.addf %parallel_loop3A_114, %parallel_loop3A_106 : vector<16xf32>
        %parallel_loop3A_116 = arith.divf %parallel_loop3A_112, %parallel_loop3A_115 : vector<16xf32>
        %parallel_loop3A_117 = arith.constant 0.000000e+00 : f32
        %parallel_loop3A_118 = arith.constant 1.000000e+00 : f32
        %parallel_loop3A_119 = vector.broadcast %parallel_loop3A_117 : f32 to vector<16xf32>
        %parallel_loop3A_120 = arith.maximumf %parallel_loop3A_119, %parallel_loop3A_116 : vector<16xf32>
        %parallel_loop3A_121 = vector.broadcast %parallel_loop3A_118 : f32 to vector<16xf32>
        %parallel_loop3A_122 = arith.minimumf %parallel_loop3A_121, %parallel_loop3A_120 : vector<16xf32>
        %parallel_loop3A_123 = arith.index_cast %parallel_loop3A_63 : i32 to index
        %parallel_loop3A_124 = tpu.vector_load %arg13[%parallel_loop3A_123] {strides = array<i32>} : memref<576xf32, #tpu.memory_space<vmem>>, vector<16xf32>,
        %parallel_loop3A_125 = vector.shape_cast %parallel_loop3A_124 : vector<16xf32> to vector<16xf32>
        %parallel_loop3A_126 = vector.shape_cast %parallel_loop3A_122 : vector<16xf32> to vector<16xf32>
        tpu.vector_store %arg13[%parallel_loop3A_123], %parallel_loop3A_126 {strides = array<i32>} : memref<576xf32, #tpu.memory_space<vmem>>, vector<16xf32>,
      } {sc.loop_unroll_factor = 4 : i64, sc.parallel_access}
      "tpu.region"() ({
        %run_scoped3A = tpu.sem_alloc : memref<!tpu.dma_semaphore, #tpu.memory_space<semaphore_mem>>
        %dma_start3A_63 = arith.constant 212992 : i32
        %dma_start3A_64 = tpu.memref_slice %arg4[%dma_start3A_63] : memref<213568xf32, #tpu.memory_space<hbm>> -> memref<576xf32, #tpu.memory_space<hbm>>
        %dma_start3A_65 = arith.constant 212992 : i32
        %dma_start3A_66 = tpu.memref_slice %arg4[%dma_start3A_65] : memref<213568xf32, #tpu.memory_space<hbm>> -> memref<576xf32, #tpu.memory_space<hbm>>
        tpu.enqueue_dma source(%arg13 : memref<576xf32, #tpu.memory_space<vmem>>) target(%dma_start3A_66 : memref<576xf32, #tpu.memory_space<hbm>>) target_semaphore(%run_scoped3A : memref<!tpu.dma_semaphore, #tpu.memory_space<semaphore_mem>>)
        %dma_wait3A_67 = arith.constant 212992 : i32
        %dma_wait3A_68 = tpu.memref_slice %arg4[%dma_wait3A_67] : memref<213568xf32, #tpu.memory_space<hbm>> -> memref<576xf32, #tpu.memory_space<hbm>>
        %dma_wait3A_69 = arith.constant 212992 : i32
        %dma_wait3A_70 = tpu.memref_slice %arg4[%dma_wait3A_69] : memref<213568xf32, #tpu.memory_space<hbm>> -> memref<576xf32, #tpu.memory_space<hbm>>
        tpu.wait_dma2 semaphore(%run_scoped3A : memref<!tpu.dma_semaphore, #tpu.memory_space<semaphore_mem>>) src(%arg13 : memref<576xf32, #tpu.memory_space<vmem>>) dst(%dma_wait3A_70 : memref<576xf32, #tpu.memory_space<hbm>>)
        tpu.yield
      }) : () -> ()
    } else {
    }
    return
  }
}

module attributes {stable_mosaic.version = 14 : i64} {
  func.func @_tc_body(%arg0: i32, %arg1: memref<196608xf32, #tpu.memory_space<vmem>>, %arg2: memref<196608xf32, #tpu.memory_space<vmem>>, %arg3: memref<196608xf32, #tpu.memory_space<vmem>>) attributes {dimension_semantics = [#tpu.dimension_semantics<arbitrary>], iteration_bounds = array<i64: 4>, scalar_prefetch = 0 : i64, scratch_operands = 0 : i64, tpu.core_type = #tpu.core_type<tc>, window_params = [{transform_indices = @transform_0, window_bounds = array<i64: 196608>}, {transform_indices = @transform_1, window_bounds = array<i64: 196608>}, {transform_indices = @transform_2, window_bounds = array<i64: 196608>}]} {
    %get3A = arith.constant 0 : index
    %get3A_0 = vector.load %arg1[%get3A] : memref<196608xf32, #tpu.memory_space<vmem>>, vector<196608xf32>
    %get3A_1 = arith.constant 0 : index
    %get3A_2 = vector.load %arg2[%get3A_1] : memref<196608xf32, #tpu.memory_space<vmem>>, vector<196608xf32>
    %neg3A = arith.constant 0.000000e+00 : f32
    %neg3A_3 = vector.broadcast %neg3A : f32 to vector<196608xf32>
    %neg3A_4 = arith.subf %neg3A_3, %get3A_0 : vector<196608xf32>
    %exp3A = math.exp %neg3A_4 : vector<196608xf32>
    %sub3A = arith.constant 1.000000e+00 : f32
    %sub3A_5 = vector.broadcast %sub3A : f32 to vector<196608xf32>
    %sub3A_6 = arith.subf %sub3A_5, %get3A_2 : vector<196608xf32>
    %mul3A = arith.mulf %exp3A, %sub3A_6 : vector<196608xf32>
    %div3A = arith.divf %mul3A, %get3A_2 : vector<196608xf32>
    %mul3A_7 = arith.mulf %div3A, %div3A : vector<196608xf32>
    %rsqrt3A = math.rsqrt %div3A : vector<196608xf32>
    %mul3A_8 = arith.mulf %mul3A_7, %rsqrt3A : vector<196608xf32>
    %mul3A_9 = arith.constant 1.000000e-01 : f32
    %mul3A_10 = vector.broadcast %mul3A_9 : f32 to vector<196608xf32>
    %mul3A_11 = arith.mulf %mul3A_10, %mul3A_8 : vector<196608xf32>
    %sub3A_12 = arith.constant 1.100000e+00 : f32
    %sub3A_13 = vector.broadcast %sub3A_12 : f32 to vector<196608xf32>
    %sub3A_14 = arith.subf %sub3A_13, %mul3A_11 : vector<196608xf32>
    %add3A = arith.constant 1.000000e+00 : f32
    %add3A_15 = vector.broadcast %add3A : f32 to vector<196608xf32>
    %add3A_16 = arith.addf %add3A_15, %mul3A_8 : vector<196608xf32>
    %div3A_17 = arith.divf %sub3A_14, %add3A_16 : vector<196608xf32>
    %jit3A = arith.constant 0.000000e+00 : f32
    %jit3A_18 = arith.constant 1.000000e+00 : f32
    %max3A = vector.broadcast %jit3A : f32 to vector<196608xf32>
    %max3A_19 = arith.maximumf %max3A, %div3A_17 : vector<196608xf32>
    %min3A = vector.broadcast %jit3A_18 : f32 to vector<196608xf32>
    %min3A_20 = arith.minimumf %min3A, %max3A_19 : vector<196608xf32>
    %swap3A = arith.constant 0 : index
    %swap3A_21 = vector.load %arg3[%swap3A] : memref<196608xf32, #tpu.memory_space<vmem>>, vector<196608xf32>
    tpu.vector_store %arg3[%swap3A], %min3A_20 {strides = array<i32>} : memref<196608xf32, #tpu.memory_space<vmem>>, vector<196608xf32>,
    return
  }
  func.func @transform_0(%arg0: i32) -> i32 {
    %c0_i32 = arith.constant 0 : i32
    return %arg0 : i32
  }
  func.func @transform_1(%arg0: i32) -> i32 {
    %c0_i32 = arith.constant 0 : i32
    return %arg0 : i32
  }
  func.func @transform_2(%arg0: i32) -> i32 {
    %c0_i32 = arith.constant 0 : i32
    return %arg0 : i32
  }
}

</mosaic_0001>

<sc_bundles>
// kernel: kernel.4.cloned.1.call-start
scs
__scs_entry_jumppad:
0x0: {  	(pc) =	sbr.rel $0x88, $3  }
0x1: {  	(tag) =	ssettag $0x0;
	lr =	simm.s32 $0x1  }
0x2: {  	[smem:$0x3F9F] =	sst lr;
	_ =	strace $0xD0000000  }
0x3: {  	_ = 	snop  }
0x4: {  	_ = 	snop  }
0x5: {  	_ = 	snop  }
0x6: {  	_ = 	snop  }
0x7: {  	_ = 	snop  }
__scs_overlays_trampoline_lowered:
0x8: {  	[smem:$0x3FAE] =	sst s0  }
0x9: {  	[smem:$0x3FAF] =	sst s1  }
0xa: {  	[smem:$0x3FB0] =	sst s2  }
0xb: {  	[smem:$0x3FB1] =	sst s3  }
0xc: {  	[smem:$0x3FB2] =	sst s4  }
0xd: {  	[smem:$0x3FB3] =	sst s5  }
0xe: {  	[smem:$0x3FB4] =	sst s6  }
0xf: {  	[smem:$0x3FB5] =	sst s7  }
0x10: {  	[smem:$0x3FB6] =	sst s8  }
0x11: {  	[smem:$0x3FB7] =	sst s9;
	s0 =	simm.s32 @!p0 $0x0  }
0x12: {  	s1 =	sld [smem:$0x3F9D];
	s0 =	simm.s32 @p0 $0x1  }
0x13: {  	[smem:$0x3FB8] =	sst s0;
	s0 =	simm.s32 @!p1 $0x0  }
0x14: {  	s2 =	sld [smem:$0x3F9C];
	s0 =	simm.s32 @p1 $0x1  }
0x15: {  	[smem:$0x3FB9] =	sst s0;
	s0 =	simm.s32 @!p2 $0x0  }
0x16: {  	s3 =	sld [smem:$0x3FDB];
	s0 =	simm.s32 @p2 $0x1  }
0x17: {  	s4 =	simm.s32 $0x1BF5;
	[smem:$0x3FBB] =	sst s0  }
0x18: {  	s0 =	sld [smem:$0x3F9E];
	_ =	swait.ge [sflag:s4], $0x0  }
0x19: {  	s7 =	sld [smem:$0x3F9F]  }
0x1a: {  	s8 =	sadd.s32 $0xFFFFE003, lr  }
0x1b: {  	s9 =	sadd.s32 $0xFFFFFEF7, lr;
	s5 =	simm.s32 $0xFFFFFFFF;
	p2 =	slt.u32 s8, $0xFFFFF086  }
0x1c: {  	p1 =	slt.u32 s9, $0xF7A;
	s5 =	simm.s32 @!p2 $0x0  }
0x1d: {  	s5 =	simm.s32 @p1 $0x1;
	p0 =	seq.s32 s7, s2  }
0x1e: {  	s7 =	smul.u32 @!p0 $0xF7A, s2;
	p2 =	seq.s32 @!p0 s5, $0x0  }
0x1f: {  	s9 =	smul.u32 $0xF7A, s1;
	s8 =	simm.s32 @!p0 $0x1BF5;
	p2 =	por !p2, p0  }
0x20: {  	[sflag:s8] =	ssyncset.s32 @!p0 $0xFFFFF086;
	s6 =	sadd.s32 @!p0 s3, s7;
	s7 =	simm.s32 @!p0 $0x108  }
0x21: {  	s3 =	sadd.s32 s3, s9;
	s6 =	sadd.s32 @!p0 $0x88, s6;
	s7 =	simm.s32 @p2 $0x1082  }
0x22: {  	[simem:s7], [sflag:s8] =	dma.local @!p0 [hbm:s6], $0xF7A  }
0x23: {  	s9 =	sor.u32 $0xD0000000, s2;
	s6 =	simm.s32 $0x108;
	_ =	swait.ge @!p0 [sflag:s8], $0x0  }
0x24: {  	s3 =	sadd.s32 $0x88, s3;
	s6 =	simm.s32 @!p1 $0x1082;
	[sflag:s4] =	ssyncset.s32 $0xFFFFF086  }
0x25: {  	[simem:s6], [sflag:s4] =	dma.local [hbm:s3], $0xF7A  }
0x26: {  	[smem:$0x3F9F] =	sst s1;
	(tag) =	ssettag s2;
	_ =	strace s9  }
0x27: {  	s1 =	sld [smem:$0x3FAF]  }
0x28: {  	s2 =	sld [smem:$0x3FB0]  }
0x29: {  	s4 =	sld [smem:$0x3FB2]  }
0x2a: {  	p0 =	seq.s32 s5, $0x0;
	s5 =	sld [smem:$0x3FB3]  }
0x2b: {  	s6 =	sld [smem:$0x3FB4]  }
0x2c: {  	s7 =	sld [smem:$0x3FB5]  }
0x2d: {  	s3 =	simm.s32 $0x108;
	s8 =	sld [smem:$0x3FB6]  }
0x2e: {  	s3 =	simm.s32 @!p0 $0x1082;
	s9 =	sld [smem:$0x3FB7]  }
0x2f: {  	lr =	sadd.s32 s0, s3;
	s0 =	sld [smem:$0x3FAE]  }
0x30: {  	s3 =	sld [smem:$0x3FB1]  }
0x31: {  	[smem:$0x3FBA] =	sst s10  }
0x32: {  	s10 =	sld [smem:$0x3FB8];
	_ =	sdelay $0x3  }
0x33: {  	p0 =	seq.s32 s10, $0x1;
	s10 =	sld [smem:$0x3FBA];
	_ =	sdelay $0x3  }
0x34: {  	[smem:$0x3FBA] =	sst s10  }
0x35: {  	s10 =	sld [smem:$0x3FB9];
	_ =	sdelay $0x3  }
0x36: {  	p1 =	seq.s32 s10, $0x1;
	s10 =	sld [smem:$0x3FBA];
	_ =	sdelay $0x3  }
0x37: {  	[smem:$0x3FBA] =	sst s10  }
0x38: {  	s10 =	sld [smem:$0x3FBB]  }
0x39: {  	_ = 	snop;
	(pc) =	sbr.ind lr, $3  }
0x3a: {  	_ = 	snop  }
0x3b: {  	_ = 	snop  }
0x3c: {  	p2 =	seq.s32 s10, $0x1;
	s10 =	sld [smem:$0x3FBA]  }
0x3d: {  	_ =	shalt  }
0x3e: {  	_ =	shalt  }
0x3f: {  	_ =	shalt  }
0x40: {  	_ =	shalt  }
0x41: {  	_ =	shalt  }
0x42: {  	_ =	shalt  }
0x43: {  	_ =	shalt  }
0x44: {  	_ =	shalt  }
0x45: {  	_ =	shalt  }
0x46: {  	_ =	shalt  }
0x47: {  	_ =	shalt  }
0x48: {  	_ =	shalt  }
0x49: {  	_ =	shalt  }
0x4a: {  	_ =	shalt  }
0x4b: {  	_ =	shalt  }
0x4c: {  	_ =	shalt  }
0x4d: {  	_ =	shalt  }
0x4e: {  	_ =	shalt  }
0x4f: {  	_ =	shalt  }
0x50: {  	_ =	shalt  }
0x51: {  	_ =	shalt  }
0x52: {  	_ =	shalt  }
0x53: {  	_ =	shalt  }
0x54: {  	_ =	shalt  }
0x55: {  	_ =	shalt  }
0x56: {  	_ =	shalt  }
0x57: {  	_ =	shalt  }
0x58: {  	_ =	shalt  }
0x59: {  	_ =	shalt  }
0x5a: {  	_ =	shalt  }
0x5b: {  	_ =	shalt  }
0x5c: {  	_ =	shalt  }
0x5d: {  	_ =	shalt  }
0x5e: {  	_ =	shalt  }
0x5f: {  	_ =	shalt  }
0x60: {  	_ =	shalt  }
0x61: {  	_ =	shalt  }
0x62: {  	_ =	shalt  }
0x63: {  	_ =	shalt  }
0x64: {  	_ =	shalt  }
0x65: {  	_ =	shalt  }
0x66: {  	_ =	shalt  }
0x67: {  	_ =	shalt  }
0x68: {  	_ =	shalt  }
0x69: {  	_ =	shalt  }
0x6a: {  	_ =	shalt  }
0x6b: {  	_ =	shalt  }
0x6c: {  	_ =	shalt  }
0x6d: {  	_ =	shalt  }
0x6e: {  	_ =	shalt  }
0x6f: {  	_ =	shalt  }
0x70: {  	_ =	shalt  }
0x71: {  	_ =	shalt  }
0x72: {  	_ =	shalt  }
0x73: {  	_ =	shalt  }
0x74: {  	_ =	shalt  }
0x75: {  	_ =	shalt  }
0x76: {  	_ =	shalt  }
0x77: {  	_ =	shalt  }
0x78: {  	_ =	shalt  }
0x79: {  	_ =	shalt  }
0x7a: {  	_ =	shalt  }
0x7b: {  	_ =	shalt  }
0x7c: {  	_ =	shalt  }
0x7d: {  	_ =	shalt  }
0x7e: {  	_ =	shalt  }
0x7f: {  	_ =	shalt  }
0x80: {  	_ =	shalt  }
0x81: {  	_ =	shalt  }
0x82: {  	_ =	shalt  }
0x83: {  	_ =	shalt  }
0x84: {  	_ =	shalt  }
0x85: {  	_ =	shalt  }
0x86: {  	_ =	shalt  }
0x87: {  	_ =	shalt  }
.Lfunc_end0:
.L_simem_size_0:
called_computation_lowered:
.L_overlay_start_0:
0x88: {  	s2 =	sld [smem:$0x3FD9]  }
0x89: {  	s3 =	sld [smem:$0x3FFE];
	_ =	sdelay $0x1  }
0x8a: {  	s1 =	srdreg.scid  }
0x8b: {  	s0 =	sand.u32 $0x1, s1  }
0x8c: {  	s17 =	sshll.u32 s0, $0xA;
	s2 =	sadd.s32 s3, s2  }
0x8d: {  	s2 =	sadd.s32 s2, s17  }
0x8e: {  	[smem:$0x3FC6] =	sst s2  }
0x8f: {  	_ = 	snop  }
0x90: {  	s2 =	sld [smem:$0x3FC9]  }
0x91: {  	s18 =	sld [smem:$0x3FC8];
	(tm) =	ssettm $0x1  }
0x92: {  	s4 =	sld [smem:$0x3FFB];
	_ =	sdelay $0x3  }
0x93: {  	_ =	strace s4  }
0x94: {  	s4 =	sld [smem:$0x3FFC];
	_ =	sdelay $0x3  }
0x95: {  	_ =	strace s4  }
0x96: {  	s4 =	sld [smem:$0x3FFD];
	_ =	sdelay $0x3  }
0x97: {  	_ =	strace s4  }
0x98: {  	_ =	strace $0x8FFFFFFF  }
0x99: {  	s19 =	sld [smem:$0x3FDB];
	_ =	sdelay $0x1  }
0x9a: {  	s5 =	simm.s32 $_scs_section_size  }
0x9b: {  	s6 =	simm.s32 $_size__tile_overlayer_lowered;
	s7 =	simm.s32 $_tile_overlayer_lowered  }
0x9c: {  	s22 =	simm.s32 $0x1BFF;
	s21 =	sshll.u32 s7, $0x1;
	s4 =	sadd.s32 s5, s19  }
0x9d: {  	s8 =	simm.s32 $0x0;
	s20 =	sshll.u32 s6, $0x1;
	s6 =	sadd.s32 s21, s4  }
0x9e: {  	[timem:s8], [sflag:s22] =	dma.local [hbm:s6], s20  }
0x9f: {  	_ =	swait.ge [sflag:s22], s20  }
0xa0: {  	s5 =	ssub.s32 $0x0, s20;
	[sflag:s22] =	ssyncset.done $0x0  }
0xa1: {  	[sflag:s22] =	ssyncadd.s32 s5;
	_ =	sdelay $0x1  }
0xa2: {  	s23 =	simm.s32 $0x1B8B  }
0xa3: {  	_ =	swait.ge [sflag:s23], $0x1  }
0xa4: {  	[sflag:s23] =	ssyncset.done $0x0  }
0xa5: {  	s25 =	simm.s32 $0x1B8E;
	s24 =	sld [smem:$0x3FFE];
	[sflag:s23] =	ssyncadd.s32 $0xFFFFFFFF  }
0xa6: {  	s26 =	simm.s32 $execute0_lowered;
	[smem:$0x3FD2] =	sst s25  }
0xa7: {  	s6 =	sshll.u32 s26, $0x1;
	_ =	strace $0x80000046;
	[dreg:$0x1] =	wrdreg $0xFFFFFFFF  }
0xa8: {  	s28 =	simm.s32 $_size_execute0_lowered;
	s4 =	sadd.s32 s4, s6;
	[dreg:$0x0] =	wrdreg $0x0  }
0xa9: {  	s6 =	sshll.u32 s28, $0x1;
	[dreg:$0x2] =	wrdreg s4  }
0xaa: {  	[dreg:$0x3] =	wrdreg s6  }
0xab: {  	[dreg:$0x4] =	wrdreg $0xC0  }
0xac: {  	_ =	task [dreg:s8], $0x5FFFF  }
0xad: {  	[dreg:$0x1] =	wrdreg $0xFFFFFFFF  }
0xae: {  	[dreg:$0x0] =	wrdreg $0x60  }
0xaf: {  	[dreg:$0x2] =	wrdreg s2  }
0xb0: {  	[dreg:$0x3] =	wrdreg s18  }
0xb1: {  	[dreg:$0x4] =	wrdreg s24  }
0xb2: {  	[dreg:$0x5] =	wrdreg $0x9  }
0xb3: {  	_ =	task.clear_ibuf [dreg:s8], $0x6FFFF;
	_ =	strace $0x90000046  }
0xb4: {  	s29 =	simm.s32 $0x9;
	_ =	strace $0x80000048  }
0xb5: {  	_ =	swait.ge [sflag:s29], $0x1  }
0xb6: {  	[sflag:s29] =	ssyncadd.s32 $0xFFFFFFFF  }
0xb7: {  	_ =	strace $0x90000048  }
0xb8: {  	_ =	sfence  }
0xb9: {  	s30 =	sld [smem:$0x0];
	_ =	sdelay $0x2  }
0xba: {  	s31 =	sshll.u32 s1, $0xD;
	s1 =	sshrl.u32 s1, $0x2  }
0xbb: {  	s3 =	sand.u32 $0x4000, s31;
	s1 =	sadd.s32 s1, s30  }
0xbc: {  	s0 =	sor.u32 s3, s0;
	s1 =	sshll.u32 s1, $0x11  }
0xbd: {  	s0 =	sor.u32 s1, s0  }
0xbe: {  	s0 =	sadd.s32 $0x8F2B, s0  }
0xbf: {  	[sflag:s0] =	ssyncadd.remote.s32 $0x1  }
0xc0: {  	_ =	sfence.sel $0xFFFF  }
0xc1: {  	[dreg:$0x0] =	wrdreg $0xFFFFFFFF;
	(pc) =	sbr.abs _section_cstart, $3  }
0xc2: {  	[dreg:$0x1] =	wrdreg $0xFFFFFFFF  }
0xc3: {  	_ =	task.clear_ibuf [dreg:s8], $0x2FFFF;
	_ =	strace $0x9FFFFFFF  }
0xc4: {  	(tm) =	ssettm $0x7FFFFFFF  }
0xc5: {  	_ =	shalt  }
tec
execute0_lowered:
.L_overlay_start_1:
0x0: {  	(tag) =	ssettag $0x1  }
0x1: {  	s0 =	rddreg [dreg:$0x0]  }
0x2: {  	s1 =	srdreg.scid;
	s10 =	rddreg [dreg:$0x1]  }
0x3: {  	s2 =	stileid.u32;
	s11 =	rddreg [dreg:$0x2];
	s13 =	simm.s32 $0x1A00  }
0x4: {  	s14 =	simm.s32 $0xD00;
	s15 =	simm.s32 $0x2700;
	s16 =	simm.s32 $0x1  }
0x5: {  	s17 =	simm.s32 $0x3400;
	s18 =	simm.s32 $0x2;
	s20 =	simm.s32 $0x3  }
0x6: {  	s21 =	simm.s32 $0x4;
	s22 =	simm.s32 $0x4E00;
	s23 =	simm.s32 $0x5  }
0x7: {  	s24 =	simm.s32 $0x5080;
	s25 =	simm.s32 $0x5300;
	s26 =	simm.s32 $0x0  }
0x8: {  	s1 =	sand.u32 $0x1, s1;
	s2 =	sshll.u32 s2, $0x1;
	s9 =	sadd.s32 $0x1E800, s0  }
0x9: {  	s19 =	sor.u32 s1, s2;
	s2 =	simm.s32 $0x0;
	s1 =	ssub.s32 $0x2, s1  }
0xa: {  	s3 =	smul.u32 $0x1A00, s19;
	[smem:$0x7FF] =	sst s2;
	s31 =	sshrl.u32 s1, $0x1  }
0xb: {  	p0 =	sne.s32 s19, $0x0;
	s19 =	simm.s32 $0x4100;
	_ =	strace $0x80000047  }
.Ltmp0:
0xc: {  	s1 =	ssub.s32 s1, s31;
	s4 =	sshrl.u32 s3, $0x3;
	(pc) =	sbr.rel .LBB2_1-.Ltmp0, $4  }
0xd: {  	s12 =	smax.u32 s1, $0x1;
	s8 =	sadd.s32 s4, s11;
	s5 =	sor.u32 $0x18000, s4  }
0xe: {  	s6 =	sadd.s32 $0x181A0, s4;
	s11 =	sadd.s32 $0x7000, s11;
	s3 =	sadd.s32 s0, s5  }
0xf: {  	s4 =	sadd.s32 s10, s5;
	s5 =	sadd.s32 s0, s6;
	s6 =	sadd.s32 s10, s6  }
0x10: {  	s7 =	sadd.s32 $0x800, s8;
	s8 =	sadd.s32 $0x9A0, s8;
	s10 =	sadd.s32 $0x1E800, s10  }
.LBB2_8:
0x11: {  	v14 =	vmul.f32 v23, v26  }
0x12: {  	(erf) = vrcp.f32 v20;
	v3 =	vmul.f32 v15, v3  }
0x13: {  	v5 =	vmul.f32 v5, v17;
	v50 =	vmul.f32 v28, v28  }
0x14: {  	v52 =	vmul.f32 $5.000000000e-01, v28;
	v1 =	vmul.f32 v1, v1  }
0x15: {  	v0 =	vmul.f32 v27, v0;
	v16 =	vmul.f32 v22, v16  }
0x16: {  	v47 =	vadd.f32 $1.000000000e+00, v24;
	v9 =	vmul.f32 v21, v9;
	v61 =	vmul.f32 v8, v25  }
0x17: {  	v48 =	vshrl.u32 v28, $0x1;
	v13 =	vmul.f32 v13, v13;
	(erf) = vrcp.f32 v30  }
0x18: {  	v49 =	vsub.f32 $1.500000000e+00, v31;
	v11 =	vmul.f32 v14, v11;
	v3 =	vmul.f32 v3, v15  }
0x19: {  	v51 =	vsub.f32 $1.100000020e+00, v29;
	(erf) = vrcp.f32 v47;
	v4 =	vmul.f32 v5, v4  }
0x1a: {  	v17 =	vmul.f32 v18, v49;
	v14 =	vsub.s32 $0x5F3759DF, v48;
	v63 =	vadd.f32 $1.000000000e+00, v0  }
0x1b: {  	v2 =	vmul.f32 v9, v2;
	v53 =	vmul.f32 $5.000000000e-01, v11;
	v55 =	vshrl.u32 v11, $0x1  }
0x1c: {  	v0 =	vmul.f32 $1.000000010e-01, v0;
	v4 =	vmul.f32 v4, v5;
	v56 =	vsub.s32 $0x5F3759DF, v55  }
0x1d: {  	v54 =	vmul.f32 v14, v52;
	v3 =	vsub.f32 $1.500000000e+00, v3;
	v59 =	vmul.f32 v56, v53  }
0x1e: {  	v6 =	vmul.f32 v17, v6;
	v11 =	vmul.f32 v11, v11;
	v4 =	vsub.f32 $1.500000000e+00, v4  }
0x1f: {  	v19 =	vsub.f32 $1.100000020e+00, v19;
	v3 =	vmul.f32 v3, v15;
	v20 =	vmul.f32 v56, v59  }
0x20: {  	v38 =	vadd.f32 $1.000000000e+00, v2;
	v4 =	vmul.f32 v4, v5;
	v5 =	vmul.f32 v8, v61  }
0x21: {  	v2 =	vmul.f32 $1.000000010e-01, v2;
	v18 =	vmul.f32 v14, v54;
	v29 =	vsub.f32 $1.500000000e+00, v20  }
0x22: {  	v6 =	vmul.f32 v6, v17;
	v1 =	vmul.f32 v3, v1;
	v5 =	vsub.f32 $1.500000000e+00, v5  }
0x23: {  	v28 =	vsub.f32 $1.500000000e+00, v18;
	v57 =	vpop (erf);
	(erf) = vrcp.f32 v63;
	v30 =	vmul.f32 v56, v29  }
0x24: {  	v16 =	vmax.f32 v16, $0.0e+00;
	v4 =	vmul.f32 v4, v7;
	v5 =	vmul.f32 v8, v5  }
0x25: {  	v39 =	vmin.f32 v16, $1.000000000e+00;
	v7 =	vmul.f32 v14, v28;
	v33 =	vmul.f32 v30, v53  }
0x26: {  	v6 =	vsub.f32 $1.500000000e+00, v6;
	v58 =	vmul.f32 v57, v51;
	v34 =	vmul.f32 v5, v25  }
0x27: {  	v36 =	vadd.f32 $1.000000000e+00, v1;
	v32 =	vmul.f32 v7, v52;
	v15 =	vmul.f32 v33, v30  }
0x28: {  	v6 =	vmul.f32 v6, v17;
	v35 =	vadd.f32 $1.000000000e+00, v4;
	v18 =	vmul.f32 v34, v5  }
0x29: {  	v60 =	vpop (erf);
	v1 =	vmul.f32 $1.000000010e-01, v1;
	v9 =	vmul.f32 v32, v7;
	v15 =	vsub.f32 $1.500000000e+00, v15  }
0x2a: {  	v62 =	vpop (erf);
	v3 =	vmul.f32 v60, v19;
	(erf) = vrcp.f32 v35;
	v37 =	vsub.f32 $1.500000000e+00, v18  }
0x2b: {  	v12 =	vmul.f32 v62, v12;
	v9 =	vsub.f32 $1.500000000e+00, v9;
	v14 =	vmul.f32 v15, v30  }
0x2c: {  	v0 =	vsub.f32 $1.100000020e+00, v0;
	v6 =	vmul.f32 v6, v10;
	v5 =	vmul.f32 v37, v5  }
0x2d: {  	v2 =	vsub.f32 $1.100000020e+00, v2;
	v7 =	vmul.f32 v9, v7;
	v40 =	vmul.f32 v14, v11  }
0x2e: {  	v41 =	vadd.f32 $1.000000000e+00, v6;
	(erf) = vrcp.f32 v36;
	v5 =	vmul.f32 v5, v13  }
0x2f: {  	(erf) = vrcp.f32 v38;
	v7 =	vmul.f32 v7, v50;
	v42 =	vadd.f32 $1.000000000e+00, v40  }
0x30: {  	v31 =	vmax.f32 v58, $0.0e+00;
	(erf) = vrcp.f32 v41;
	v43 =	vadd.f32 $1.000000000e+00, v5  }
0x31: {  	v4 =	vmul.f32 $1.000000010e-01, v4;
	v44 =	vadd.f32 $1.000000000e+00, v7;
	(erf) = vrcp.f32 v42  }
0x32: {  	v1 =	vsub.f32 $1.100000020e+00, v1;
	v8 =	vmin.f32 v31, $1.000000000e+00;
	v45 =	vpop (erf);
	(erf) = vrcp.f32 v43  }
0x33: {  	v3 =	vmax.f32 v3, $0.0e+00;
	v6 =	vmul.f32 $1.000000010e-01, v6;
	v46 =	vpop (erf);
	(erf) = vrcp.f32 v44  }
0x34: {  	v12 =	vmax.f32 v12, $0.0e+00;
	v4 =	vsub.f32 $1.100000020e+00, v4;
	v0 =	vmul.f32 v45, v0  }
0x35: {  	v3 =	vmin.f32 v3, $1.000000000e+00;
	v47 =	vmin.f32 v12, $1.000000000e+00;
	v52 =	vsub.f32 $1.100000020e+00, v6  }
0x36: {  	[tilespmem:s29+$0xFFFFFFE0] =	vst v39;
	v0 =	vmax.f32 v0, $0.0e+00;
	v7 =	vmul.f32 $1.000000010e-01, v7;
	v4 =	vmul.f32 v46, v4  }
0x37: {  	[tilespmem:s29+$0x10] =	vst v8;
	v0 =	vmin.f32 v0, $1.000000000e+00;
	v48 =	vpop (erf);
	v50 =	vmul.f32 $1.000000010e-01, v40;
	v5 =	vmul.f32 $1.000000010e-01, v5  }
0x38: {  	[tilespmem:s29+$0x0] =	vst v3;
	v54 =	vsub.f32 $1.100000020e+00, v7;
	v49 =	vpop (erf);
	v1 =	vmul.f32 v48, v1;
	v4 =	vmax.f32 v4, $0.0e+00  }
0x39: {  	[tilespmem:s29+$0xFFFFFFF0] =	vst v47;
	v2 =	vmul.f32 v49, v2;
	v51 =	vpop (erf);
	v8 =	vsub.f32 $1.100000020e+00, v50;
	v57 =	vsub.f32 $1.100000020e+00, v5  }
0x3a: {  	[tilespmem:s28+$0xFFFFFFE0] =	vst v0;
	v4 =	vmin.f32 v4, $1.000000000e+00;
	v1 =	vmax.f32 v1, $0.0e+00;
	v3 =	vmul.f32 v51, v52;
	v53 =	vpop (erf)  }
0x3b: {  	v2 =	vmax.f32 v2, $0.0e+00;
	[tilespmem:s28+$0x10] =	vst v4;
	v59 =	vmin.f32 v1, $1.000000000e+00;
	v6 =	vmul.f32 v53, v8;
	v55 =	vpop (erf)  }
0x3c: {  	v56 =	vmin.f32 v2, $1.000000000e+00;
	[tilespmem:s28+$0x0] =	vst v59;
	v61 =	vmax.f32 v3, $0.0e+00;
	v58 =	vpop (erf);
	v2 =	vmul.f32 v55, v57  }
0x3d: {  	s0 =	sadd.s32 $0x40, s1;
	[tilespmem:s28+$0xFFFFFFF0] =	vst v56;
	v0 =	vmin.f32 v61, $1.000000000e+00;
	v60 =	vmax.f32 v6, $0.0e+00;
	v4 =	vmul.f32 v58, v54  }
0x3e: {  	[tilespmem:s0+$0xFFFFFFE0] =	vst v0;
	v1 =	vmin.f32 v60, $1.000000000e+00;
	v63 =	vmax.f32 v2, $0.0e+00  }
0x3f: {  	[tilespmem:s0+$0x10] =	vst v1;
	v62 =	vmax.f32 v4, $0.0e+00;
	v0 =	vmin.f32 v63, $1.000000000e+00  }
0x40: {  	v1 =	vmin.f32 v62, $1.000000000e+00;
	[tilespmem:s0+$0x0] =	vst v0  }
0x41: {  	[tilespmem:s0+$0xFFFFFFF0] =	vst v1  }
0x42: {  	[hbm4b:s11+s2] =	stream.linear.scatter [tilespmem:s25], [sflag:$0x5], $0x240, $0x38;
	[tilespmem:$0x5580] =	vst v63  }
0x43: {  	_ =	swait.ge [sflag:s23], $0x240  }
0x44: {  	[sflag:s23] =	ssyncset.done $0x0  }
0x45: {  	[sflag:s23] =	ssyncadd.s32 $0xFFFFFDC0  }
.LBB2_9:
0x46: {  	s26 =	sadd.s32 $0x1, s26  }
0x47: {  	p1 =	sne.s32 s26, s12  }
.Ltmp1:
0x48: {  	_ = 	snop;
	(pc) =	sbr.rel @!p1 .LBB2_10-.Ltmp1, $1  }
0x49: {  	_ =	sdelay $0x3  }
.LBB2_1:
0x4a: {  	[tilespmem:s2], [sflag:$0x1] =	stream.linear.gather [hbm4b:s3+s2], $0xD00, $0x38;
	[tilespmem:$0x5580] =	vst v63  }
0x4b: {  	_ = 	snop  }
0x4c: {  	[tilespmem:s13], [sflag:$0x1] =	stream.linear.gather [hbm4b:s4+s2], $0xD00, $0x38;
	[tilespmem:$0x5580] =	vst v63  }
0x4d: {  	_ = 	snop  }
0x4e: {  	[tilespmem:s14], [sflag:$0x2] =	stream.linear.gather [hbm4b:s5+s2], $0xD00, $0x38;
	[tilespmem:$0x5580] =	vst v63  }
0x4f: {  	_ = 	snop  }
0x50: {  	[tilespmem:s15], [sflag:$0x2] =	stream.linear.gather [hbm4b:s6+s2], $0xD00, $0x38;
	[tilespmem:$0x5580] =	vst v63  }
0x51: {  	_ =	swait.ge [sflag:s16], $0xD00  }
0x52: {  	[sflag:s16] =	ssyncset.done $0x0  }
0x53: {  	[sflag:s16] =	ssyncadd.s32 $0xFFFFF300  }
0x54: {  	_ =	swait.ge [sflag:s16], $0xD00  }
0x55: {  	[sflag:s16] =	ssyncset.done $0x0  }
0x56: {  	s0 =	simm.s32 $0x40;
	[sflag:s16] =	ssyncadd.s32 $0xFFFFF300  }
0x57: {  	v0 =	vld [tilespmem:s0+$0x30]  }
0x58: {  	v1 =	vld [tilespmem:s0+$0xFFFFFFD0]  }
0x59: {  	v2 =	vld [tilespmem:s0+$0xFFFFFFE0]  }
0x5a: {  	v3 =	vld [tilespmem:s0+$0xFFFFFFF0]  }
0x5b: {  	v4 =	vld [tilespmem:s0+$0x0]  }
0x5c: {  	s1 =	simm.s32 $0x1A40;
	v6 =	vld [tilespmem:s0+$0x10];
	v0 =	vsub.f32 $0.0e+00, v0  }
0x5d: {  	v5 =	vld [tilespmem:s1+$0x30];
	v1 =	vsub.f32 $0.0e+00, v1  }
0x5e: {  	v8 =	vld [tilespmem:s0+$0xFFFFFFC0];
	v0 =	vmul.f32 $1.442695020e+00, v0  }
0x5f: {  	v7 =	vld [tilespmem:s0+$0x20];
	v1 =	vmul.f32 $1.442695020e+00, v1  }
0x60: {  	v2 =	vsub.f32 $0.0e+00, v2;
	(erf) = vpow2.f32 v0  }
0x61: {  	v0 =	vsub.f32 $0.0e+00, v3;
	v3 =	vsub.f32 $0.0e+00, v6;
	(erf) = vpow2.f32 v1  }
0x62: {  	v1 =	vmul.f32 $1.442695020e+00, v2;
	v2 =	vsub.f32 $0.0e+00, v4;
	(erf) = vrcp.f32 v5  }
0x63: {  	v6 =	vsub.f32 $0.0e+00, v8;
	v0 =	vmul.f32 $1.442695020e+00, v0;
	v3 =	vmul.f32 $1.442695020e+00, v3  }
0x64: {  	v4 =	vsub.f32 $0.0e+00, v7;
	v2 =	vmul.f32 $1.442695020e+00, v2;
	(erf) = vpow2.f32 v1  }
0x65: {  	v6 =	vmul.f32 $1.442695020e+00, v6;
	v1 =	vld [tilespmem:s1+$0xFFFFFFC0];
	(erf) = vpow2.f32 v0  }
0x66: {  	v4 =	vmul.f32 $1.442695020e+00, v4;
	v0 =	vld [tilespmem:s1+$0xFFFFFFD0];
	(erf) = vpow2.f32 v2  }
0x67: {  	v2 =	vld [tilespmem:s1+$0xFFFFFFE0];
	(erf) = vpow2.f32 v3  }
0x68: {  	v3 =	vld [tilespmem:s1+$0xFFFFFFF0];
	(erf) = vpow2.f32 v4;
	v4 =	vsub.f32 $1.000000000e+00, v5  }
0x69: {  	(erf) = vpow2.f32 v6;
	v6 =	vpop (erf)  }
0x6a: {  	v5 =	vld [tilespmem:s1+$0x0];
	(erf) = vrcp.f32 v1;
	v4 =	vmul.f32 v6, v4;
	v6 =	vpop (erf)  }
0x6b: {  	(erf) = vrcp.f32 v0;
	v8 =	vpop (erf)  }
0x6c: {  	v7 =	vld [tilespmem:s1+$0x10];
	(erf) = vrcp.f32 v2;
	v4 =	vmul.f32 v4, v8  }
0x6d: {  	v0 =	vsub.f32 $1.000000000e+00, v0;
	v2 =	vsub.f32 $1.000000000e+00, v2;
	v8 =	vpop (erf);
	(erf) = vrcp.f32 v3  }
0x6e: {  	v9 =	vld [tilespmem:s1+$0x20];
	v3 =	vsub.f32 $1.000000000e+00, v3;
	v10 =	vpop (erf);
	v11 =	vshrl.u32 v4, $0x1;
	v12 =	vmul.f32 $5.000000000e-01, v4  }
0x6f: {  	v0 =	vmul.f32 v6, v0;
	(erf) = vrcp.f32 v5;
	v13 =	vpop (erf);
	v11 =	vsub.s32 $0x5F3759DF, v11  }
0x70: {  	v1 =	vsub.f32 $1.000000000e+00, v1;
	v2 =	vmul.f32 v8, v2;
	v14 =	vpop (erf);
	v15 =	vmul.f32 v11, v12  }
0x71: {  	v5 =	vsub.f32 $1.000000000e+00, v5;
	(erf) = vrcp.f32 v7;
	v3 =	vmul.f32 v10, v3;
	v6 =	vpop (erf)  }
0x72: {  	v7 =	vsub.f32 $1.000000000e+00, v7;
	v4 =	vmul.f32 v4, v4;
	v8 =	vpop (erf);
	v15 =	vmul.f32 v11, v15  }
0x73: {  	(erf) = vrcp.f32 v9;
	v9 =	vsub.f32 $1.000000000e+00, v9;
	v1 =	vmul.f32 v8, v1;
	v8 =	vpop (erf)  }
0x74: {  	v5 =	vmul.f32 v13, v5;
	v7 =	vmul.f32 v14, v7;
	v10 =	vpop (erf);
	v13 =	vsub.f32 $1.500000000e+00, v15  }
0x75: {  	v8 =	vmul.f32 v1, v8;
	v0 =	vmul.f32 v0, v10  }
0x76: {  	v6 =	vmul.f32 v6, v9;
	v10 =	vmul.f32 v11, v13  }
0x77: {  	v1 =	vpop (erf);
	v11 =	vmul.f32 $5.000000000e-01, v8;
	v13 =	vshrl.u32 v0, $0x1;
	v15 =	vmul.f32 $5.000000000e-01, v0  }
0x78: {  	v0 =	vmul.f32 v0, v0;
	v9 =	vpop (erf);
	v2 =	vmul.f32 v2, v1;
	v1 =	vshrl.u32 v8, $0x1  }
0x79: {  	v13 =	vsub.s32 $0x5F3759DF, v13;
	v8 =	vmul.f32 v8, v8;
	v3 =	vmul.f32 v3, v9  }
0x7a: {  	v9 =	vpop (erf);
	v12 =	vmul.f32 v10, v12;
	v1 =	vsub.s32 $0x5F3759DF, v1;
	v42 =	vmul.f32 v13, v15  }
0x7b: {  	v14 =	vpop (erf);
	v5 =	vmul.f32 v5, v9;
	v22 =	vmul.f32 v1, v11  }
0x7c: {  	v9 =	vshrl.u32 v2, $0x1;
	v7 =	vmul.f32 v7, v14;
	v12 =	vmul.f32 v12, v10  }
0x7d: {  	v14 =	vpop (erf);
	v16 =	vshrl.u32 v3, $0x1;
	v18 =	vmul.f32 $5.000000000e-01, v3;
	v3 =	vmul.f32 v3, v3  }
0x7e: {  	v9 =	vsub.s32 $0x5F3759DF, v9;
	v6 =	vmul.f32 v6, v14;
	v14 =	vmul.f32 $5.000000000e-01, v2  }
0x7f: {  	v17 =	vshrl.u32 v5, $0x1;
	v19 =	vmul.f32 $5.000000000e-01, v5;
	v22 =	vmul.f32 v1, v22  }
0x80: {  	v16 =	vsub.s32 $0x5F3759DF, v16;
	v2 =	vmul.f32 v2, v2;
	v5 =	vmul.f32 v5, v5  }
0x81: {  	v12 =	vsub.f32 $1.500000000e+00, v12;
	v20 =	vshrl.u32 v7, $0x1;
	v21 =	vmul.f32 $5.000000000e-01, v7  }
0x82: {  	v17 =	vsub.s32 $0x5F3759DF, v17;
	v24 =	vmul.f32 v16, v18;
	v7 =	vmul.f32 v7, v7  }
0x83: {  	v23 =	vmul.f32 v9, v14;
	v25 =	vmul.f32 v17, v19  }
0x84: {  	v27 =	vshrl.u32 v6, $0x1;
	v10 =	vmul.f32 v12, v10;
	v12 =	vmul.f32 $5.000000000e-01, v6  }
0x85: {  	v22 =	vsub.f32 $1.500000000e+00, v22;
	v24 =	vmul.f32 v16, v24;
	v6 =	vmul.f32 v6, v6  }
0x86: {  	v23 =	vmul.f32 v9, v23;
	v25 =	vmul.f32 v17, v25  }
0x87: {  	v27 =	vsub.s32 $0x5F3759DF, v27;
	v22 =	vmul.f32 v1, v22;
	v4 =	vmul.f32 v10, v4  }
0x88: {  	v10 =	vsub.s32 $0x5F3759DF, v20;
	v20 =	vmul.f32 v13, v42;
	v1 =	vsub.f32 $1.500000000e+00, v24  }
0x89: {  	v43 =	vmul.f32 v27, v12;
	v28 =	vmul.f32 v10, v21;
	v23 =	vsub.f32 $1.500000000e+00, v23  }
0x8a: {  	v26 =	vadd.f32 $1.000000000e+00, v4;
	v4 =	vmul.f32 $1.000000010e-01, v4;
	v16 =	vmul.f32 v16, v1  }
0x8b: {  	v20 =	vsub.f32 $1.500000000e+00, v20;
	v28 =	vmul.f32 v10, v28;
	v9 =	vmul.f32 v9, v23  }
0x8c: {  	v44 =	vsub.f32 $1.500000000e+00, v25;
	(erf) = vrcp.f32 v26;
	v26 =	vmul.f32 v27, v43  }
0x8d: {  	v13 =	vmul.f32 v13, v20;
	v1 =	vsub.f32 $1.100000020e+00, v4;
	v4 =	vmul.f32 v22, v11  }
0x8e: {  	v17 =	vmul.f32 v17, v44;
	v45 =	vsub.f32 $1.500000000e+00, v28;
	v14 =	vmul.f32 v9, v14  }
0x8f: {  	v46 =	vsub.f32 $1.500000000e+00, v26;
	v11 =	vmul.f32 v13, v15;
	v4 =	vmul.f32 v4, v22  }
0x90: {  	s28 =	simm.s32 $0x1AC0;
	v10 =	vmul.f32 v10, v45;
	v14 =	vmul.f32 v14, v9  }
0x91: {  	v60 =	vld [tilespmem:s28+$0x20];
	v47 =	vmul.f32 v27, v46;
	v11 =	vmul.f32 v11, v13;
	v4 =	vsub.f32 $1.500000000e+00, v4  }
0x92: {  	v48 =	vmul.f32 v17, v19;
	v49 =	vmul.f32 v10, v21;
	v14 =	vsub.f32 $1.500000000e+00, v14  }
0x93: {  	v12 =	vmul.f32 v47, v12;
	v11 =	vsub.f32 $1.500000000e+00, v11;
	v4 =	vmul.f32 v4, v22  }
0x94: {  	v19 =	vmul.f32 v49, v10;
	v9 =	vmul.f32 v14, v9  }
0x95: {  	v12 =	vmul.f32 v12, v47;
	v11 =	vmul.f32 v11, v13;
	v15 =	vpop (erf)  }
0x96: {  	v30 =	vsub.f32 $1.000000000e+00, v60;
	v1 =	vmul.f32 v15, v1;
	v15 =	vmul.f32 v16, v18  }
0x97: {  	v4 =	vmul.f32 v4, v8;
	v13 =	vsub.f32 $1.500000000e+00, v19;
	v2 =	vmul.f32 v9, v2  }
0x98: {  	s1 =	simm.s32 $0xC0;
	v18 =	vmul.f32 v48, v17;
	v12 =	vsub.f32 $1.500000000e+00, v12;
	v15 =	vmul.f32 v15, v16  }
0x99: {  	v9 =	vld [tilespmem:s1+$0x30];
	v0 =	vmul.f32 v11, v0;
	v8 =	vadd.f32 $1.000000000e+00, v4;
	v4 =	vmul.f32 $1.000000010e-01, v4  }
0x9a: {  	v10 =	vmul.f32 v13, v10;
	v11 =	vadd.f32 $1.000000000e+00, v2;
	v15 =	vsub.f32 $1.500000000e+00, v15  }
0x9b: {  	v18 =	vsub.f32 $1.500000000e+00, v18;
	v12 =	vmul.f32 v12, v47;
	(erf) = vrcp.f32 v8  }
0x9c: {  	v4 =	vsub.f32 $1.100000020e+00, v4;
	v7 =	vmul.f32 v10, v7;
	v14 =	vmul.f32 v15, v16  }
0x9d: {  	v10 =	vadd.f32 $1.000000000e+00, v0;
	v0 =	vmul.f32 $1.000000010e-01, v0;
	v15 =	vmul.f32 v18, v17  }
0x9e: {  	v6 =	vmul.f32 v12, v6;
	v12 =	vld [tilespmem:s1+$0xFFFFFFD0];
	v9 =	vsub.f32 $0.0e+00, v9;
	v3 =	vmul.f32 v14, v3  }
0x9f: {  	v8 =	vadd.f32 $1.000000000e+00, v7;
	(erf) = vrcp.f32 v10;
	v10 =	vld [tilespmem:s1+$0xFFFFFFE0];
	v5 =	vmul.f32 v15, v5  }
0xa0: {  	v50 =	vsub.f32 $1.100000020e+00, v0;
	v0 =	vld [tilespmem:s1+$0x20];
	v7 =	vmul.f32 $1.000000010e-01, v7;
	v13 =	vadd.f32 $1.000000000e+00, v3  }
0xa1: {  	(erf) = vrcp.f32 v11;
	v11 =	vld [tilespmem:s1+$0xFFFFFFF0];
	v9 =	vmul.f32 $1.442695020e+00, v9;
	v14 =	vadd.f32 $1.000000000e+00, v5  }
0xa2: {  	v15 =	vadd.f32 $1.000000000e+00, v6;
	(erf) = vrcp.f32 v13;
	v13 =	vmul.f32 $1.000000010e-01, v2;
	v2 =	vld [tilespmem:s1+$0x0]  }
0xa3: {  	v12 =	vsub.f32 $0.0e+00, v12;
	v3 =	vmul.f32 $1.000000010e-01, v3;
	(erf) = vrcp.f32 v14;
	v14 =	vld [tilespmem:s28+$0x30]  }
0xa4: {  	v5 =	vmul.f32 $1.000000010e-01, v5;
	v10 =	vsub.f32 $0.0e+00, v10;
	(erf) = vrcp.f32 v8;
	v8 =	vld [tilespmem:s1+$0x10]  }
0xa5: {  	v0 =	vsub.f32 $0.0e+00, v0;
	v12 =	vmul.f32 $1.442695020e+00, v12;
	(erf) = vrcp.f32 v15;
	v15 =	vld [tilespmem:s1+$0xFFFFFFC0]  }
0xa6: {  	v1 =	vmax.f32 v1, $0.0e+00;
	v10 =	vmul.f32 $1.442695020e+00, v10;
	(erf) = vpow2.f32 v9  }
0xa7: {  	v55 =	vmul.f32 $1.442695020e+00, v0;
	v9 =	vsub.f32 $0.0e+00, v11;
	v11 =	vpop (erf);
	(erf) = vpow2.f32 v12  }
0xa8: {  	v12 =	vsub.f32 $0.0e+00, v2;
	v2 =	vmul.f32 $1.000000010e-01, v6;
	v4 =	vmul.f32 v11, v4  }
0xa9: {  	(erf) = vrcp.f32 v14;
	v9 =	vmul.f32 $1.442695020e+00, v9;
	v8 =	vsub.f32 $0.0e+00, v8  }
0xaa: {  	v51 =	vld [tilespmem:s28+$0xFFFFFFC0];
	v6 =	vpop (erf);
	v12 =	vmul.f32 $1.442695020e+00, v12;
	(erf) = vpow2.f32 v10;
	v15 =	vsub.f32 $0.0e+00, v15  }
0xab: {  	v39 =	vmin.f32 v1, $1.000000000e+00;
	v52 =	vpop (erf);
	v10 =	vld [tilespmem:s28+$0xFFFFFFD0];
	(erf) = vpow2.f32 v9;
	v8 =	vmul.f32 $1.442695020e+00, v8  }
0xac: {  	v57 =	vld [tilespmem:s28+$0x10];
	v9 =	vsub.f32 $1.100000020e+00, v13;
	v53 =	vpop (erf);
	(erf) = vpow2.f32 v12;
	v15 =	vmul.f32 $1.442695020e+00, v15  }
0xad: {  	v3 =	vsub.f32 $1.100000020e+00, v3;
	v6 =	vmul.f32 v6, v50;
	v13 =	vld [tilespmem:s28+$0xFFFFFFE0];
	v54 =	vpop (erf);
	(erf) = vpow2.f32 v8  }
0xae: {  	v5 =	vsub.f32 $1.100000020e+00, v5;
	v12 =	vld [tilespmem:s28+$0xFFFFFFF0];
	v9 =	vmul.f32 v52, v9;
	v56 =	vpop (erf);
	(erf) = vpow2.f32 v55  }
0xaf: {  	v11 =	vsub.f32 $1.000000000e+00, v14;
	v3 =	vmul.f32 v53, v3;
	v8 =	vld [tilespmem:s28+$0x0];
	v0 =	vpop (erf);
	(erf) = vpow2.f32 v15  }
0xb0: {  	v5 =	vmul.f32 v54, v5;
	v58 =	vsub.f32 $1.000000000e+00, v10;
	v15 =	vpop (erf);
	(erf) = vrcp.f32 v51  }
0xb1: {  	v7 =	vsub.f32 $1.100000020e+00, v7;
	v11 =	vmul.f32 v15, v11;
	v15 =	vpop (erf);
	(erf) = vrcp.f32 v10  }
0xb2: {  	v59 =	vsub.f32 $1.000000000e+00, v13;
	v10 =	vpop (erf);
	(erf) = vrcp.f32 v13;
	v13 =	vmul.f32 v15, v58  }
0xb3: {  	v16 =	vsub.f32 $1.000000000e+00, v57;
	v10 =	vmul.f32 v11, v10;
	v15 =	vpop (erf);
	(erf) = vrcp.f32 v12  }
0xb4: {  	v7 =	vmul.f32 v56, v7;
	v61 =	vsub.f32 $1.000000000e+00, v12;
	v11 =	vsub.f32 $1.000000000e+00, v8;
	v12 =	vpop (erf)  }
0xb5: {  	(erf) = vrcp.f32 v8;
	v8 =	vshrl.u32 v10, $0x1;
	v62 =	vmul.f32 $5.000000000e-01, v10;
	v63 =	vpop (erf)  }
0xb6: {  	v15 =	vmul.f32 v15, v59;
	(erf) = vrcp.f32 v57;
	v8 =	vsub.s32 $0x5F3759DF, v8;
	v28 =	vpop (erf)  }
0xb7: {  	v14 =	vsub.f32 $1.000000000e+00, v51;
	v12 =	vmul.f32 v12, v61;
	v29 =	vmul.f32 v8, v62;
	v31 =	vpop (erf)  }
0xb8: {  	v4 =	vmax.f32 v4, $0.0e+00;
	v10 =	vmul.f32 v10, v10;
	(erf) = vrcp.f32 v60;
	v32 =	vpop (erf)  }
0xb9: {  	v6 =	vmax.f32 v6, $0.0e+00;
	v33 =	vmul.f32 v8, v29;
	v14 =	vmul.f32 v32, v14;
	v34 =	vpop (erf)  }
0xba: {  	v4 =	vmin.f32 v4, $1.000000000e+00;
	v11 =	vmul.f32 v63, v11;
	v16 =	vmul.f32 v28, v16;
	v35 =	vpop (erf)  }
0xbb: {  	v17 =	vmul.f32 v31, v30;
	v36 =	vsub.f32 $1.500000000e+00, v33;
	v14 =	vmul.f32 v14, v34;
	v37 =	vpop (erf)  }
0xbc: {  	v6 =	vmin.f32 v6, $1.000000000e+00;
	v13 =	vmul.f32 v13, v35;
	v15 =	vmul.f32 v15, v37;
	v38 =	vpop (erf)  }
0xbd: {  	v8 =	vmul.f32 v8, v36;
	v12 =	vmul.f32 v12, v38;
	v40 =	vshrl.u32 v14, $0x1  }
0xbe: {  	v1 =	vpop (erf);
	v41 =	vmul.f32 $5.000000000e-01, v14;
	v43 =	vshrl.u32 v13, $0x1;
	v24 =	vmul.f32 $5.000000000e-01, v13  }
0xbf: {  	v14 =	vmul.f32 v14, v14;
	v11 =	vmul.f32 v11, v1;
	v1 =	vshrl.u32 v15, $0x1  }
0xc0: {  	v42 =	vpop (erf);
	v46 =	vmul.f32 $5.000000000e-01, v15;
	v18 =	vsub.s32 $0x5F3759DF, v40;
	v21 =	vmul.f32 v8, v62  }
0xc1: {  	v50 =	vsub.s32 $0x5F3759DF, v43;
	v16 =	vmul.f32 v16, v42;
	v48 =	vmul.f32 $5.000000000e-01, v12  }
0xc2: {  	v44 =	vpop (erf);
	v31 =	vmul.f32 v18, v41;
	v32 =	vsub.s32 $0x5F3759DF, v1;
	v1 =	vmul.f32 v50, v24  }
0xc3: {  	v45 =	vshrl.u32 v12, $0x1;
	v12 =	vmul.f32 v12, v12;
	v17 =	vmul.f32 v17, v44  }
0xc4: {  	v9 =	vmax.f32 v9, $0.0e+00;
	v49 =	vmul.f32 $5.000000000e-01, v11;
	v33 =	vmul.f32 v32, v46  }
0xc5: {  	v47 =	vshrl.u32 v11, $0x1;
	v11 =	vmul.f32 v11, v11;
	v21 =	vmul.f32 v21, v8  }
0xc6: {  	v29 =	vshrl.u32 v16, $0x1;
	v30 =	vmul.f32 $5.000000000e-01, v16;
	v53 =	vmul.f32 v18, v31  }
0xc7: {  	v52 =	vsub.s32 $0x5F3759DF, v47;
	v1 =	vmul.f32 v50, v1;
	v16 =	vmul.f32 v16, v16  }
0xc8: {  	v51 =	vmul.f32 $5.000000000e-01, v17;
	v29 =	vsub.s32 $0x5F3759DF, v29;
	v35 =	vmul.f32 v52, v49  }
0xc9: {  	v55 =	vshrl.u32 v17, $0x1;
	v33 =	vmul.f32 v32, v33;
	v21 =	vsub.f32 $1.500000000e+00, v21  }
0xca: {  	v17 =	vmul.f32 v17, v17;
	v26 =	vsub.f32 $1.500000000e+00, v53;
	v1 =	vsub.f32 $1.500000000e+00, v1  }
0xcb: {  	v56 =	vmul.f32 v29, v30;
	v31 =	vsub.s32 $0x5F3759DF, v55;
	v35 =	vmul.f32 v52, v35  }
0xcc: {  	v33 =	vsub.f32 $1.500000000e+00, v33;
	v8 =	vmul.f32 v21, v8;
	v18 =	vmul.f32 v18, v26  }
0xcd: {  	v21 =	vmul.f32 v50, v1;
	v1 =	vsub.f32 $1.100000020e+00, v2;
	v2 =	vmul.f32 v31, v51  }
0xce: {  	v3 =	vmax.f32 v3, $0.0e+00;
	v26 =	vmul.f32 v29, v56;
	v32 =	vmul.f32 v32, v33  }
0xcf: {  	v35 =	vsub.f32 $1.500000000e+00, v35;
	v8 =	vmul.f32 v8, v10;
	v2 =	vmul.f32 v31, v2  }
0xd0: {  	v10 =	vsub.s32 $0x5F3759DF, v45;
	v20 =	vmul.f32 v18, v41;
	v24 =	vmul.f32 v21, v24  }
0xd1: {  	v26 =	vsub.f32 $1.500000000e+00, v26;
	v34 =	vmul.f32 v10, v48;
	v25 =	vmul.f32 v52, v35  }
0xd2: {  	v22 =	vmul.f32 v32, v46;
	v54 =	vadd.f32 $1.000000000e+00, v8;
	v8 =	vmul.f32 $1.000000010e-01, v8  }
0xd3: {  	v5 =	vmax.f32 v5, $0.0e+00;
	v26 =	vmul.f32 v29, v26;
	v20 =	vmul.f32 v20, v18  }
0xd4: {  	v2 =	vsub.f32 $1.500000000e+00, v2;
	v24 =	vmul.f32 v24, v21;
	v34 =	vmul.f32 v10, v34  }
0xd5: {  	v9 =	vmin.f32 v9, $1.000000000e+00;
	v28 =	vmul.f32 v25, v49;
	(erf) = vrcp.f32 v54  }
0xd6: {  	v7 =	vmax.f32 v7, $0.0e+00;
	v22 =	vmul.f32 v22, v32;
	v2 =	vmul.f32 v31, v2  }
0xd7: {  	v58 =	vmul.f32 v26, v30;
	v20 =	vsub.f32 $1.500000000e+00, v20;
	v34 =	vsub.f32 $1.500000000e+00, v34  }
0xd8: {  	v24 =	vsub.f32 $1.500000000e+00, v24;
	v28 =	vmul.f32 v28, v25;
	v23 =	vmul.f32 v2, v51  }
0xd9: {  	v22 =	vsub.f32 $1.500000000e+00, v22;
	v29 =	vmul.f32 v58, v26;
	v10 =	vmul.f32 v10, v34  }
0xda: {  	v18 =	vmul.f32 v20, v18;
	v60 =	vsub.f32 $1.500000000e+00, v28;
	v23 =	vmul.f32 v23, v2  }
0xdb: {  	v21 =	vmul.f32 v24, v21;
	v61 =	vsub.f32 $1.500000000e+00, v29;
	v27 =	vmul.f32 v10, v48  }
0xdc: {  	v22 =	vmul.f32 v22, v32;
	v62 =	vmul.f32 v60, v25;
	v23 =	vsub.f32 $1.500000000e+00, v23  }
0xdd: {  	v8 =	vsub.f32 $1.100000020e+00, v8;
	v24 =	vmul.f32 v61, v26;
	v27 =	vmul.f32 v27, v10  }
0xde: {  	s29 =	simm.s32 $0x3440;
	v23 =	vmul.f32 v23, v2;
	v2 =	vmin.f32 v3, $1.000000000e+00;
	v3 =	vmul.f32 v13, v13;
	v57 =	vpop (erf)  }
0xdf: {  	[tilespmem:s29+$0xFFFFFFC0] =	vst v4;
	v13 =	vmul.f32 v15, v15;
	v15 =	vmin.f32 v7, $1.000000000e+00;
	v8 =	vmul.f32 v57, v8  }
0xe0: {  	v59 =	vsub.f32 $1.500000000e+00, v27;
	[tilespmem:s29+$0xFFFFFFF0] =	vst v2;
	v2 =	vmul.f32 v24, v16;
	v7 =	vmul.f32 v21, v3  }
0xe1: {  	[tilespmem:s29+$0xFFFFFFD0] =	vst v6;
	v6 =	vmul.f32 v22, v13;
	v4 =	vmax.f32 v8, $0.0e+00;
	v8 =	vmul.f32 v18, v14  }
0xe2: {  	[tilespmem:s29+$0x30] =	vst v39;
	v5 =	vmin.f32 v5, $1.000000000e+00;
	v3 =	vmul.f32 v62, v11;
	v10 =	vmul.f32 v59, v10  }
0xe3: {  	[tilespmem:s29+$0x0] =	vst v5;
	v5 =	vmul.f32 v23, v17;
	v11 =	vadd.f32 $1.000000000e+00, v2;
	v14 =	vadd.f32 $1.000000000e+00, v8  }
0xe4: {  	[tilespmem:s29+$0xFFFFFFE0] =	vst v9;
	v63 =	vadd.f32 $1.000000000e+00, v7;
	v9 =	vmin.f32 v4, $1.000000000e+00;
	v4 =	vmul.f32 v10, v12  }
0xe5: {  	s30 =	simm.s32 $0x34C0;
	[tilespmem:s29+$0x10] =	vst v15;
	v12 =	vadd.f32 $1.000000000e+00, v6;
	v10 =	vadd.f32 $1.000000000e+00, v3;
	(erf) = vrcp.f32 v14  }
0xe6: {  	s31 =	simm.s32 $0x80;
	s1 =	simm.s32 $0x140;
	[tilespmem:s30+$0x30] =	vst v9;
	v9 =	vadd.f32 $1.000000000e+00, v5;
	v13 =	vadd.f32 $1.000000000e+00, v4;
	(erf) = vrcp.f32 v63  }
.LBB2_2:
0xe7: {  	v14 =	vld [tilespmem:s1+$0x30];
	s31 =	sadd.s32 $0x80, s31;
	v8 =	vmul.f32 $1.000000010e-01, v8;
	(erf) = vrcp.f32 v12  }
0xe8: {  	v7 =	vmul.f32 $1.000000010e-01, v7;
	v12 =	vld [tilespmem:s1+$0xFFFFFFD0];
	p1 =	slt.u32 s31, $0xC80;
	(erf) = vrcp.f32 v13  }
0xe9: {  	v6 =	vmul.f32 $1.000000010e-01, v6;
	v13 =	vld [tilespmem:s1+$0xFFFFFFE0];
	v8 =	vsub.f32 $1.100000020e+00, v8;
	(erf) = vrcp.f32 v10  }
0xea: {  	v4 =	vmul.f32 $1.000000010e-01, v4;
	v7 =	vsub.f32 $1.100000020e+00, v7;
	v10 =	vld [tilespmem:s1+$0xFFFFFFF0];
	(erf) = vrcp.f32 v11  }
0xeb: {  	v3 =	vmul.f32 $1.000000010e-01, v3;
	v6 =	vsub.f32 $1.100000020e+00, v6;
	v11 =	vld [tilespmem:s1+$0x0];
	(erf) = vrcp.f32 v9  }
0xec: {  	v19 =	vmul.f32 $1.000000010e-01, v2;
	v5 =	vmul.f32 $1.000000010e-01, v5;
	s28 =	sadd.s32 $0x80, s28;
	v9 =	vld [tilespmem:s1+$0x10];
	v17 =	vsub.f32 $0.0e+00, v14  }
0xed: {  	v16 =	vmul.f32 v0, v1;
	v4 =	vsub.f32 $1.100000020e+00, v4;
	v12 =	vsub.f32 $0.0e+00, v12;
	v15 =	vld [tilespmem:s28+$0x30]  }
0xee: {  	v3 =	vsub.f32 $1.100000020e+00, v3;
	v0 =	vsub.f32 $0.0e+00, v13;
	v13 =	vld [tilespmem:s1+$0x20];
	v1 =	vmul.f32 $1.442695020e+00, v17;
	v14 =	vpop (erf)  }
0xef: {  	v18 =	vsub.f32 $1.100000020e+00, v19;
	v17 =	vld [tilespmem:s1+$0xFFFFFFC0];
	v22 =	vmul.f32 $1.442695020e+00, v12;
	v10 =	vsub.f32 $0.0e+00, v10;
	v2 =	vpop (erf)  }
0xf0: {  	v19 =	vld [tilespmem:s28+$0xFFFFFFC0];
	v0 =	vmul.f32 $1.442695020e+00, v0;
	v11 =	vsub.f32 $0.0e+00, v11;
	(erf) = vpow2.f32 v1;
	v20 =	vpop (erf)  }
0xf1: {  	v21 =	vld [tilespmem:s28+$0xFFFFFFD0];
	v10 =	vmul.f32 $1.442695020e+00, v10;
	v9 =	vsub.f32 $0.0e+00, v9;
	(erf) = vpow2.f32 v22;
	v12 =	vpop (erf)  }
0xf2: {  	v1 =	vsub.f32 $1.100000020e+00, v5;
	v22 =	vld [tilespmem:s28+$0xFFFFFFE0];
	v11 =	vmul.f32 $1.442695020e+00, v11;
	(erf) = vrcp.f32 v15;
	v5 =	vpop (erf)  }
0xf3: {  	v23 =	vld [tilespmem:s28+$0xFFFFFFF0];
	v9 =	vmul.f32 $1.442695020e+00, v9;
	v13 =	vsub.f32 $0.0e+00, v13;
	(erf) = vpow2.f32 v0;
	v24 =	vpop (erf)  }
0xf4: {  	v8 =	vmul.f32 v14, v8;
	v17 =	vsub.f32 $0.0e+00, v17;
	v25 =	vld [tilespmem:s28+$0x0];
	(erf) = vpow2.f32 v10;
	v0 =	vpop (erf)  }
0xf5: {  	v10 =	vsub.f32 $1.000000000e+00, v19;
	v14 =	vld [tilespmem:s28+$0x10];
	v13 =	vmul.f32 $1.442695020e+00, v13;
	(erf) = vpow2.f32 v11  }
0xf6: {  	v11 =	vmul.f32 $1.442695020e+00, v17;
	v17 =	vsub.f32 $1.000000000e+00, v21;
	v26 =	vld [tilespmem:s28+$0x20];
	(erf) = vpow2.f32 v9  }
0xf7: {  	v2 =	vmul.f32 v2, v7;
	v9 =	vsub.f32 $1.000000000e+00, v22;
	(erf) = vpow2.f32 v13  }
0xf8: {  	v13 =	vsub.f32 $1.000000000e+00, v15;
	v7 =	vsub.f32 $1.000000000e+00, v23;
	(erf) = vpow2.f32 v11  }
0xf9: {  	v6 =	vmul.f32 v20, v6;
	v11 =	vsub.f32 $1.000000000e+00, v25;
	(erf) = vrcp.f32 v19;
	v15 =	vpop (erf)  }
0xfa: {  	v19 =	vsub.f32 $1.000000000e+00, v14;
	v13 =	vmul.f32 v15, v13;
	v15 =	vpop (erf);
	(erf) = vrcp.f32 v21  }
0xfb: {  	v15 =	vmul.f32 v15, v17;
	v17 =	vsub.f32 $1.000000000e+00, v26;
	(erf) = vrcp.f32 v22;
	v20 =	vpop (erf)  }
0xfc: {  	v8 =	vmax.f32 v8, $0.0e+00;
	v13 =	vmul.f32 v13, v20;
	v20 =	vpop (erf);
	(erf) = vrcp.f32 v23  }
0xfd: {  	v2 =	vmax.f32 v2, $0.0e+00;
	v20 =	vmul.f32 v20, v9;
	v9 =	vpop (erf);
	(erf) = vrcp.f32 v25  }
0xfe: {  	v21 =	vshrl.u32 v13, $0x1;
	v22 =	vmul.f32 $5.000000000e-01, v13;
	v23 =	vpop (erf);
	(erf) = vrcp.f32 v14  }
0xff: {  	v7 =	vmul.f32 v9, v7;
	v14 =	vsub.s32 $0x5F3759DF, v21;
	v9 =	vpop (erf);
	(erf) = vrcp.f32 v26  }
0x100: {  	v25 =	vmax.f32 v6, $0.0e+00;
	v11 =	vmul.f32 v23, v11;
	v26 =	vmul.f32 v14, v22;
	v23 =	vpop (erf)  }
0x101: {  	v19 =	vmul.f32 v9, v19;
	v9 =	vmax.f32 v16, $0.0e+00;
	v17 =	vmul.f32 v23, v17;
	v6 =	vpop (erf)  }
0x102: {  	v8 =	vmin.f32 v8, $1.000000000e+00;
	v6 =	vmul.f32 v6, v10;
	v10 =	vmul.f32 v14, v26;
	v16 =	vpop (erf)  }
0x103: {  	v12 =	vmul.f32 v12, v4;
	v23 =	vmul.f32 v5, v3;
	v21 =	vpop (erf);
	[tilespmem:s30+$0xFFFFFFC0] =	vst v8;
	v8 =	vmin.f32 v2, $1.000000000e+00  }
0x104: {  	v3 =	vmul.f32 v6, v16;
	v2 =	vmul.f32 v15, v21;
	v16 =	vsub.f32 $1.500000000e+00, v10;
	v4 =	vpop (erf);
	[tilespmem:s30+$0xFFFFFFD0] =	vst v8  }
0x105: {  	v10 =	vmax.f32 v12, $0.0e+00;
	v12 =	vmul.f32 v24, v18;
	v4 =	vmul.f32 v20, v4;
	v5 =	vpop (erf)  }
0x106: {  	v15 =	vshrl.u32 v3, $0x1;
	v5 =	vmul.f32 v7, v5;
	v14 =	vmul.f32 v14, v16;
	v6 =	vpop (erf)  }
0x107: {  	v16 =	vmul.f32 $5.000000000e-01, v3;
	v18 =	vshrl.u32 v2, $0x1;
	v6 =	vmul.f32 v11, v6;
	v7 =	vpop (erf)  }
0x108: {  	v11 =	vshrl.u32 v4, $0x1;
	v7 =	vmul.f32 v19, v7;
	v19 =	vmul.f32 v14, v22;
	v8 =	vpop (erf)  }
0x109: {  	v20 =	vmul.f32 $5.000000000e-01, v2;
	v21 =	vshrl.u32 v5, $0x1;
	v8 =	vmul.f32 v17, v8  }
0x10a: {  	v17 =	vmul.f32 $5.000000000e-01, v4;
	v22 =	vshrl.u32 v6, $0x1;
	v19 =	vmul.f32 v19, v14  }
0x10b: {  	v24 =	vmul.f32 $5.000000000e-01, v5;
	v26 =	vmul.f32 $5.000000000e-01, v6;
	v27 =	vshrl.u32 v7, $0x1  }
0x10c: {  	v28 =	vmul.f32 $5.000000000e-01, v7;
	v29 =	vshrl.u32 v8, $0x1;
	v19 =	vsub.f32 $1.500000000e+00, v19  }
0x10d: {  	v15 =	vsub.s32 $0x5F3759DF, v15;
	v18 =	vsub.s32 $0x5F3759DF, v18;
	v30 =	vmul.f32 $5.000000000e-01, v8  }
0x10e: {  	v13 =	vmul.f32 v13, v13;
	v11 =	vsub.s32 $0x5F3759DF, v11;
	v14 =	vmul.f32 v19, v14  }
0x10f: {  	v19 =	vsub.s32 $0x5F3759DF, v21;
	v21 =	vsub.s32 $0x5F3759DF, v22;
	v22 =	vsub.s32 $0x5F3759DF, v27  }
0x110: {  	v29 =	vsub.s32 $0x5F3759DF, v29;
	v27 =	vmul.f32 v15, v16;
	v13 =	vmul.f32 v14, v13  }
0x111: {  	v23 =	vmax.f32 v23, $0.0e+00;
	v31 =	vmul.f32 v11, v17;
	v14 =	vmul.f32 v18, v20  }
0x112: {  	v32 =	vmul.f32 v19, v24;
	v33 =	vmul.f32 v21, v26;
	v34 =	vadd.f32 $1.000000000e+00, v13  }
0x113: {  	v12 =	vmax.f32 v12, $0.0e+00;
	v36 =	vmul.f32 v29, v30;
	v35 =	vmul.f32 v22, v28  }
0x114: {  	v25 =	vmin.f32 v25, $1.000000000e+00;
	v27 =	vmul.f32 v15, v27;
	(erf) = vrcp.f32 v34  }
0x115: {  	v10 =	vmin.f32 v10, $1.000000000e+00;
	v31 =	vmul.f32 v11, v31;
	v14 =	vmul.f32 v18, v14;
	[tilespmem:s30+$0xFFFFFFE0] =	vst v25  }
0x116: {  	v25 =	vsub.f32 $1.500000000e+00, v27;
	v27 =	vmul.f32 v19, v32;
	v32 =	vmul.f32 v21, v33;
	[tilespmem:s30+$0xFFFFFFF0] =	vst v10  }
0x117: {  	v33 =	vmul.f32 v29, v36;
	v10 =	vsub.f32 $1.500000000e+00, v14;
	v14 =	vmul.f32 v22, v35  }
0x118: {  	v15 =	vmul.f32 v15, v25;
	v25 =	vsub.f32 $1.500000000e+00, v31;
	v27 =	vsub.f32 $1.500000000e+00, v27  }
0x119: {  	v10 =	vmul.f32 v18, v10;
	v18 =	vsub.f32 $1.500000000e+00, v32;
	v14 =	vsub.f32 $1.500000000e+00, v14  }
0x11a: {  	v13 =	vmul.f32 $1.000000010e-01, v13;
	v11 =	vmul.f32 v11, v25;
	v25 =	vsub.f32 $1.500000000e+00, v33  }
0x11b: {  	v23 =	vmin.f32 v23, $1.000000000e+00;
	v19 =	vmul.f32 v19, v27;
	v18 =	vmul.f32 v21, v18  }
0x11c: {  	v13 =	vsub.f32 $1.100000020e+00, v13;
	v14 =	vmul.f32 v22, v14;
	v22 =	vmul.f32 v29, v25;
	[tilespmem:s30+$0x0] =	vst v23  }
0x11d: {  	v12 =	vmin.f32 v12, $1.000000000e+00;
	v16 =	vmul.f32 v15, v16;
	v20 =	vmul.f32 v10, v20;
	v21 =	vpop (erf)  }
0x11e: {  	v9 =	vmin.f32 v9, $1.000000000e+00;
	v17 =	vmul.f32 v11, v17;
	v13 =	vmul.f32 v21, v13;
	[tilespmem:s30+$0x10] =	vst v12  }
0x11f: {  	v12 =	vmul.f32 v19, v24;
	v21 =	vmul.f32 v18, v26;
	[tilespmem:s29+$0x20] =	vst v9;
	s29 =	smov.u32 s30  }
0x120: {  	v23 =	vmul.f32 v22, v30;
	v9 =	vmul.f32 v14, v28;
	v13 =	vmax.f32 v13, $0.0e+00  }
0x121: {  	v16 =	vmul.f32 v16, v15;
	v20 =	vmul.f32 v20, v10;
	s30 =	sadd.s32 $0x80, s30;
	v13 =	vmin.f32 v13, $1.000000000e+00  }
0x122: {  	v17 =	vmul.f32 v17, v11;
	v12 =	vmul.f32 v12, v19;
	[tilespmem:s30+$0x30] =	vst v13  }
0x123: {  	v9 =	vmul.f32 v9, v14;
	v13 =	vsub.f32 $1.500000000e+00, v16;
	v16 =	vmul.f32 v21, v18  }
0x124: {  	v20 =	vsub.f32 $1.500000000e+00, v20;
	v17 =	vsub.f32 $1.500000000e+00, v17;
	v21 =	vmul.f32 v23, v22  }
0x125: {  	v12 =	vsub.f32 $1.500000000e+00, v12;
	v13 =	vmul.f32 v13, v15;
	v15 =	vsub.f32 $1.500000000e+00, v16  }
0x126: {  	v10 =	vmul.f32 v20, v10;
	v9 =	vsub.f32 $1.500000000e+00, v9;
	v16 =	vsub.f32 $1.500000000e+00, v21  }
0x127: {  	v11 =	vmul.f32 v17, v11;
	v12 =	vmul.f32 v12, v19  }
0x128: {  	v9 =	vmul.f32 v9, v14;
	v15 =	vmul.f32 v15, v18  }
0x129: {  	v3 =	vmul.f32 v3, v3;
	v14 =	vmul.f32 v16, v22  }
0x12a: {  	v2 =	vmul.f32 v2, v2;
	v4 =	vmul.f32 v4, v4  }
0x12b: {  	v5 =	vmul.f32 v5, v5;
	v16 =	vmul.f32 v6, v6  }
0x12c: {  	v17 =	vmul.f32 v7, v7;
	v18 =	vmul.f32 v8, v8  }
0x12d: {  	v7 =	vmul.f32 v10, v2;
	v8 =	vmul.f32 v13, v3  }
.Ltmp2:
0x12e: {  	v6 =	vmul.f32 v11, v4;
	v4 =	vmul.f32 v12, v5;
	(pc) =	sbr.rel @p1 .LBB2_2-.Ltmp2, $4  }
0x12f: {  	v2 =	vmul.f32 v9, v17;
	v11 =	vadd.f32 $1.000000000e+00, v8;
	v3 =	vmul.f32 v15, v16  }
0x130: {  	v15 =	vadd.f32 $1.000000000e+00, v7;
	v12 =	vadd.f32 $1.000000000e+00, v6;
	v5 =	vmul.f32 v14, v18  }
0x131: {  	v13 =	vadd.f32 $1.000000000e+00, v4;
	v10 =	vadd.f32 $1.000000000e+00, v3;
	(erf) = vrcp.f32 v11  }
0x132: {  	s1 =	sadd.s32 $0x80, s1;
	v9 =	vadd.f32 $1.000000000e+00, v5;
	v11 =	vadd.f32 $1.000000000e+00, v2;
	(erf) = vrcp.f32 v15  }
0x133: {  	(erf) = vrcp.f32 v12  }
0x134: {  	v8 =	vmul.f32 $1.000000010e-01, v8;
	(erf) = vrcp.f32 v13  }
0x135: {  	v7 =	vmul.f32 $1.000000010e-01, v7;
	(erf) = vrcp.f32 v10  }
0x136: {  	v6 =	vmul.f32 $1.000000010e-01, v6;
	(erf) = vrcp.f32 v11  }
0x137: {  	v4 =	vmul.f32 $1.000000010e-01, v4;
	(erf) = vrcp.f32 v9  }
0x138: {  	v3 =	vmul.f32 $1.000000010e-01, v3;
	v2 =	vmul.f32 $1.000000010e-01, v2  }
0x139: {  	v5 =	vmul.f32 $1.000000010e-01, v5;
	v8 =	vsub.f32 $1.100000020e+00, v8;
	v7 =	vsub.f32 $1.100000020e+00, v7  }
0x13a: {  	v0 =	vmul.f32 v0, v1;
	v6 =	vsub.f32 $1.100000020e+00, v6;
	v4 =	vsub.f32 $1.100000020e+00, v4;
	v9 =	vpop (erf)  }
0x13b: {  	v3 =	vsub.f32 $1.100000020e+00, v3;
	v2 =	vsub.f32 $1.100000020e+00, v2;
	v10 =	vpop (erf);
	v8 =	vmul.f32 v9, v8  }
0x13c: {  	v5 =	vsub.f32 $1.100000020e+00, v5;
	v0 =	vmax.f32 v0, $0.0e+00;
	v9 =	vpop (erf);
	v7 =	vmul.f32 v10, v7  }
0x13d: {  	v0 =	vmin.f32 v0, $1.000000000e+00;
	v10 =	vpop (erf);
	v6 =	vmul.f32 v9, v6;
	v8 =	vmax.f32 v8, $0.0e+00  }
0x13e: {  	[tilespmem:s29+$0x20] =	vst v0;
	v9 =	vpop (erf);
	v7 =	vmax.f32 v7, $0.0e+00;
	v8 =	vmin.f32 v8, $1.000000000e+00;
	v4 =	vmul.f32 v10, v4  }
0x13f: {  	v10 =	vpop (erf);
	v6 =	vmax.f32 v6, $0.0e+00;
	[tilespmem:s30+$0xFFFFFFC0] =	vst v8;
	v7 =	vmin.f32 v7, $1.000000000e+00;
	v3 =	vmul.f32 v9, v3  }
0x140: {  	[tilespmem:s30+$0xFFFFFFD0] =	vst v7;
	v4 =	vmax.f32 v4, $0.0e+00;
	v2 =	vmul.f32 v10, v2;
	v6 =	vmin.f32 v6, $1.000000000e+00;
	v1 =	vpop (erf)  }
0x141: {  	v3 =	vmax.f32 v3, $0.0e+00;
	[tilespmem:s30+$0xFFFFFFE0] =	vst v6;
	v4 =	vmin.f32 v4, $1.000000000e+00;
	v1 =	vmul.f32 v1, v5  }
0x142: {  	v2 =	vmax.f32 v2, $0.0e+00;
	[tilespmem:s30+$0xFFFFFFF0] =	vst v4;
	v3 =	vmin.f32 v3, $1.000000000e+00  }
0x143: {  	[tilespmem:s30+$0x0] =	vst v3;
	v2 =	vmin.f32 v2, $1.000000000e+00;
	v1 =	vmax.f32 v1, $0.0e+00  }
0x144: {  	[tilespmem:s30+$0x10] =	vst v2;
	v0 =	vmin.f32 v1, $1.000000000e+00  }
0x145: {  	[tilespmem:s30+$0x20] =	vst v0  }
0x146: {  	[hbm4b:s7+s2] =	stream.linear.scatter [tilespmem:s17], [sflag:$0x3], $0xD00, $0x38;
	[tilespmem:$0x5580] =	vst v63  }
0x147: {  	_ =	swait.ge [sflag:s18], $0xD00  }
0x148: {  	[sflag:s18] =	ssyncset.done $0x0  }
0x149: {  	[sflag:s18] =	ssyncadd.s32 $0xFFFFF300  }
0x14a: {  	_ =	swait.ge [sflag:s18], $0xD00  }
0x14b: {  	[sflag:s18] =	ssyncset.done $0x0  }
0x14c: {  	s0 =	simm.s32 $0xD40;
	[sflag:s18] =	ssyncadd.s32 $0xFFFFF300  }
0x14d: {  	v0 =	vld [tilespmem:s0+$0x30]  }
0x14e: {  	v1 =	vld [tilespmem:s0+$0xFFFFFFD0]  }
0x14f: {  	v2 =	vld [tilespmem:s0+$0xFFFFFFE0]  }
0x150: {  	v3 =	vld [tilespmem:s0+$0xFFFFFFF0]  }
0x151: {  	v4 =	vld [tilespmem:s0+$0x0]  }
0x152: {  	s1 =	simm.s32 $0x2740;
	v6 =	vld [tilespmem:s0+$0x10];
	v0 =	vsub.f32 $0.0e+00, v0  }
0x153: {  	v5 =	vld [tilespmem:s1+$0x30];
	v1 =	vsub.f32 $0.0e+00, v1  }
0x154: {  	v8 =	vld [tilespmem:s0+$0xFFFFFFC0];
	v0 =	vmul.f32 $1.442695020e+00, v0  }
0x155: {  	v7 =	vld [tilespmem:s0+$0x20];
	v1 =	vmul.f32 $1.442695020e+00, v1  }
0x156: {  	v2 =	vsub.f32 $0.0e+00, v2;
	(erf) = vpow2.f32 v0  }
0x157: {  	v0 =	vsub.f32 $0.0e+00, v3;
	v3 =	vsub.f32 $0.0e+00, v6;
	(erf) = vpow2.f32 v1  }
0x158: {  	v1 =	vmul.f32 $1.442695020e+00, v2;
	v2 =	vsub.f32 $0.0e+00, v4;
	(erf) = vrcp.f32 v5  }
0x159: {  	v6 =	vsub.f32 $0.0e+00, v8;
	v0 =	vmul.f32 $1.442695020e+00, v0;
	v3 =	vmul.f32 $1.442695020e+00, v3  }
0x15a: {  	v4 =	vsub.f32 $0.0e+00, v7;
	v2 =	vmul.f32 $1.442695020e+00, v2;
	(erf) = vpow2.f32 v1  }
0x15b: {  	v6 =	vmul.f32 $1.442695020e+00, v6;
	v1 =	vld [tilespmem:s1+$0xFFFFFFC0];
	(erf) = vpow2.f32 v0  }
0x15c: {  	v4 =	vmul.f32 $1.442695020e+00, v4;
	v0 =	vld [tilespmem:s1+$0xFFFFFFD0];
	(erf) = vpow2.f32 v2  }
0x15d: {  	v2 =	vld [tilespmem:s1+$0xFFFFFFE0];
	(erf) = vpow2.f32 v3  }
0x15e: {  	v3 =	vld [tilespmem:s1+$0xFFFFFFF0];
	(erf) = vpow2.f32 v4;
	v4 =	vsub.f32 $1.000000000e+00, v5  }
0x15f: {  	(erf) = vpow2.f32 v6;
	v6 =	vpop (erf)  }
0x160: {  	v5 =	vld [tilespmem:s1+$0x0];
	(erf) = vrcp.f32 v1;
	v4 =	vmul.f32 v6, v4;
	v6 =	vpop (erf)  }
0x161: {  	(erf) = vrcp.f32 v0;
	v8 =	vpop (erf)  }
0x162: {  	v7 =	vld [tilespmem:s1+$0x10];
	(erf) = vrcp.f32 v2;
	v4 =	vmul.f32 v4, v8  }
0x163: {  	v0 =	vsub.f32 $1.000000000e+00, v0;
	v2 =	vsub.f32 $1.000000000e+00, v2;
	v8 =	vpop (erf);
	(erf) = vrcp.f32 v3  }
0x164: {  	v9 =	vld [tilespmem:s1+$0x20];
	v3 =	vsub.f32 $1.000000000e+00, v3;
	v10 =	vpop (erf);
	v11 =	vshrl.u32 v4, $0x1;
	v12 =	vmul.f32 $5.000000000e-01, v4  }
0x165: {  	v0 =	vmul.f32 v6, v0;
	(erf) = vrcp.f32 v5;
	v13 =	vpop (erf);
	v11 =	vsub.s32 $0x5F3759DF, v11  }
0x166: {  	v1 =	vsub.f32 $1.000000000e+00, v1;
	v2 =	vmul.f32 v8, v2;
	v14 =	vpop (erf);
	v15 =	vmul.f32 v11, v12  }
0x167: {  	v5 =	vsub.f32 $1.000000000e+00, v5;
	(erf) = vrcp.f32 v7;
	v3 =	vmul.f32 v10, v3;
	v6 =	vpop (erf)  }
0x168: {  	v7 =	vsub.f32 $1.000000000e+00, v7;
	v4 =	vmul.f32 v4, v4;
	v8 =	vpop (erf);
	v15 =	vmul.f32 v11, v15  }
0x169: {  	(erf) = vrcp.f32 v9;
	v9 =	vsub.f32 $1.000000000e+00, v9;
	v1 =	vmul.f32 v8, v1;
	v8 =	vpop (erf)  }
0x16a: {  	v5 =	vmul.f32 v13, v5;
	v7 =	vmul.f32 v14, v7;
	v10 =	vpop (erf);
	v13 =	vsub.f32 $1.500000000e+00, v15  }
0x16b: {  	v8 =	vmul.f32 v1, v8;
	v0 =	vmul.f32 v0, v10  }
0x16c: {  	v6 =	vmul.f32 v6, v9;
	v10 =	vmul.f32 v11, v13  }
0x16d: {  	v1 =	vpop (erf);
	v11 =	vmul.f32 $5.000000000e-01, v8;
	v13 =	vshrl.u32 v0, $0x1;
	v15 =	vmul.f32 $5.000000000e-01, v0  }
0x16e: {  	v0 =	vmul.f32 v0, v0;
	v9 =	vpop (erf);
	v2 =	vmul.f32 v2, v1;
	v1 =	vshrl.u32 v8, $0x1  }
0x16f: {  	v13 =	vsub.s32 $0x5F3759DF, v13;
	v8 =	vmul.f32 v8, v8;
	v3 =	vmul.f32 v3, v9  }
0x170: {  	v9 =	vpop (erf);
	v12 =	vmul.f32 v10, v12;
	v1 =	vsub.s32 $0x5F3759DF, v1;
	v42 =	vmul.f32 v13, v15  }
0x171: {  	v14 =	vpop (erf);
	v5 =	vmul.f32 v5, v9;
	v22 =	vmul.f32 v1, v11  }
0x172: {  	v9 =	vshrl.u32 v2, $0x1;
	v7 =	vmul.f32 v7, v14;
	v12 =	vmul.f32 v12, v10  }
0x173: {  	v14 =	vpop (erf);
	v16 =	vshrl.u32 v3, $0x1;
	v18 =	vmul.f32 $5.000000000e-01, v3;
	v3 =	vmul.f32 v3, v3  }
0x174: {  	v9 =	vsub.s32 $0x5F3759DF, v9;
	v6 =	vmul.f32 v6, v14;
	v14 =	vmul.f32 $5.000000000e-01, v2  }
0x175: {  	v17 =	vshrl.u32 v5, $0x1;
	v19 =	vmul.f32 $5.000000000e-01, v5;
	v22 =	vmul.f32 v1, v22  }
0x176: {  	v16 =	vsub.s32 $0x5F3759DF, v16;
	v2 =	vmul.f32 v2, v2;
	v5 =	vmul.f32 v5, v5  }
0x177: {  	v12 =	vsub.f32 $1.500000000e+00, v12;
	v20 =	vshrl.u32 v7, $0x1;
	v21 =	vmul.f32 $5.000000000e-01, v7  }
0x178: {  	v17 =	vsub.s32 $0x5F3759DF, v17;
	v24 =	vmul.f32 v16, v18;
	v7 =	vmul.f32 v7, v7  }
0x179: {  	v23 =	vmul.f32 v9, v14;
	v25 =	vmul.f32 v17, v19  }
0x17a: {  	v27 =	vshrl.u32 v6, $0x1;
	v10 =	vmul.f32 v12, v10;
	v12 =	vmul.f32 $5.000000000e-01, v6  }
0x17b: {  	v22 =	vsub.f32 $1.500000000e+00, v22;
	v24 =	vmul.f32 v16, v24;
	v6 =	vmul.f32 v6, v6  }
0x17c: {  	v23 =	vmul.f32 v9, v23;
	v25 =	vmul.f32 v17, v25  }
0x17d: {  	v27 =	vsub.s32 $0x5F3759DF, v27;
	v22 =	vmul.f32 v1, v22;
	v4 =	vmul.f32 v10, v4  }
0x17e: {  	v10 =	vsub.s32 $0x5F3759DF, v20;
	v20 =	vmul.f32 v13, v42;
	v1 =	vsub.f32 $1.500000000e+00, v24  }
0x17f: {  	v43 =	vmul.f32 v27, v12;
	v28 =	vmul.f32 v10, v21;
	v23 =	vsub.f32 $1.500000000e+00, v23  }
0x180: {  	v26 =	vadd.f32 $1.000000000e+00, v4;
	v4 =	vmul.f32 $1.000000010e-01, v4;
	v16 =	vmul.f32 v16, v1  }
0x181: {  	v20 =	vsub.f32 $1.500000000e+00, v20;
	v28 =	vmul.f32 v10, v28;
	v9 =	vmul.f32 v9, v23  }
0x182: {  	v44 =	vsub.f32 $1.500000000e+00, v25;
	(erf) = vrcp.f32 v26;
	v26 =	vmul.f32 v27, v43  }
0x183: {  	v13 =	vmul.f32 v13, v20;
	v1 =	vsub.f32 $1.100000020e+00, v4;
	v4 =	vmul.f32 v22, v11  }
0x184: {  	v17 =	vmul.f32 v17, v44;
	v45 =	vsub.f32 $1.500000000e+00, v28;
	v14 =	vmul.f32 v9, v14  }
0x185: {  	v46 =	vsub.f32 $1.500000000e+00, v26;
	v11 =	vmul.f32 v13, v15;
	v4 =	vmul.f32 v4, v22  }
0x186: {  	s28 =	simm.s32 $0x27C0;
	v10 =	vmul.f32 v10, v45;
	v14 =	vmul.f32 v14, v9  }
0x187: {  	v60 =	vld [tilespmem:s28+$0x20];
	v47 =	vmul.f32 v27, v46;
	v11 =	vmul.f32 v11, v13;
	v4 =	vsub.f32 $1.500000000e+00, v4  }
0x188: {  	v48 =	vmul.f32 v17, v19;
	v49 =	vmul.f32 v10, v21;
	v14 =	vsub.f32 $1.500000000e+00, v14  }
0x189: {  	v12 =	vmul.f32 v47, v12;
	v11 =	vsub.f32 $1.500000000e+00, v11;
	v4 =	vmul.f32 v4, v22  }
0x18a: {  	v19 =	vmul.f32 v49, v10;
	v9 =	vmul.f32 v14, v9  }
0x18b: {  	v12 =	vmul.f32 v12, v47;
	v11 =	vmul.f32 v11, v13;
	v15 =	vpop (erf)  }
0x18c: {  	v30 =	vsub.f32 $1.000000000e+00, v60;
	v1 =	vmul.f32 v15, v1;
	v15 =	vmul.f32 v16, v18  }
0x18d: {  	v4 =	vmul.f32 v4, v8;
	v13 =	vsub.f32 $1.500000000e+00, v19;
	v2 =	vmul.f32 v9, v2  }
0x18e: {  	s1 =	simm.s32 $0xDC0;
	v18 =	vmul.f32 v48, v17;
	v12 =	vsub.f32 $1.500000000e+00, v12;
	v15 =	vmul.f32 v15, v16  }
0x18f: {  	v9 =	vld [tilespmem:s1+$0x30];
	v0 =	vmul.f32 v11, v0;
	v8 =	vadd.f32 $1.000000000e+00, v4;
	v4 =	vmul.f32 $1.000000010e-01, v4  }
0x190: {  	v10 =	vmul.f32 v13, v10;
	v11 =	vadd.f32 $1.000000000e+00, v2;
	v15 =	vsub.f32 $1.500000000e+00, v15  }
0x191: {  	v18 =	vsub.f32 $1.500000000e+00, v18;
	v12 =	vmul.f32 v12, v47;
	(erf) = vrcp.f32 v8  }
0x192: {  	v4 =	vsub.f32 $1.100000020e+00, v4;
	v7 =	vmul.f32 v10, v7;
	v14 =	vmul.f32 v15, v16  }
0x193: {  	v10 =	vadd.f32 $1.000000000e+00, v0;
	v0 =	vmul.f32 $1.000000010e-01, v0;
	v15 =	vmul.f32 v18, v17  }
0x194: {  	v6 =	vmul.f32 v12, v6;
	v12 =	vld [tilespmem:s1+$0xFFFFFFD0];
	v9 =	vsub.f32 $0.0e+00, v9;
	v3 =	vmul.f32 v14, v3  }
0x195: {  	v8 =	vadd.f32 $1.000000000e+00, v7;
	(erf) = vrcp.f32 v10;
	v10 =	vld [tilespmem:s1+$0xFFFFFFE0];
	v5 =	vmul.f32 v15, v5  }
0x196: {  	v50 =	vsub.f32 $1.100000020e+00, v0;
	v0 =	vld [tilespmem:s1+$0x20];
	v7 =	vmul.f32 $1.000000010e-01, v7;
	v13 =	vadd.f32 $1.000000000e+00, v3  }
0x197: {  	(erf) = vrcp.f32 v11;
	v11 =	vld [tilespmem:s1+$0xFFFFFFF0];
	v9 =	vmul.f32 $1.442695020e+00, v9;
	v14 =	vadd.f32 $1.000000000e+00, v5  }
0x198: {  	v15 =	vadd.f32 $1.000000000e+00, v6;
	(erf) = vrcp.f32 v13;
	v13 =	vmul.f32 $1.000000010e-01, v2;
	v2 =	vld [tilespmem:s1+$0x0]  }
0x199: {  	v12 =	vsub.f32 $0.0e+00, v12;
	v3 =	vmul.f32 $1.000000010e-01, v3;
	(erf) = vrcp.f32 v14;
	v14 =	vld [tilespmem:s28+$0x30]  }
0x19a: {  	v5 =	vmul.f32 $1.000000010e-01, v5;
	v10 =	vsub.f32 $0.0e+00, v10;
	(erf) = vrcp.f32 v8;
	v8 =	vld [tilespmem:s1+$0x10]  }
0x19b: {  	v0 =	vsub.f32 $0.0e+00, v0;
	v12 =	vmul.f32 $1.442695020e+00, v12;
	(erf) = vrcp.f32 v15;
	v15 =	vld [tilespmem:s1+$0xFFFFFFC0]  }
0x19c: {  	v1 =	vmax.f32 v1, $0.0e+00;
	v10 =	vmul.f32 $1.442695020e+00, v10;
	(erf) = vpow2.f32 v9  }
0x19d: {  	v55 =	vmul.f32 $1.442695020e+00, v0;
	v9 =	vsub.f32 $0.0e+00, v11;
	v11 =	vpop (erf);
	(erf) = vpow2.f32 v12  }
0x19e: {  	v12 =	vsub.f32 $0.0e+00, v2;
	v2 =	vmul.f32 $1.000000010e-01, v6;
	v4 =	vmul.f32 v11, v4  }
0x19f: {  	(erf) = vrcp.f32 v14;
	v9 =	vmul.f32 $1.442695020e+00, v9;
	v8 =	vsub.f32 $0.0e+00, v8  }
0x1a0: {  	v51 =	vld [tilespmem:s28+$0xFFFFFFC0];
	v6 =	vpop (erf);
	v12 =	vmul.f32 $1.442695020e+00, v12;
	(erf) = vpow2.f32 v10;
	v15 =	vsub.f32 $0.0e+00, v15  }
0x1a1: {  	v39 =	vmin.f32 v1, $1.000000000e+00;
	v52 =	vpop (erf);
	v10 =	vld [tilespmem:s28+$0xFFFFFFD0];
	(erf) = vpow2.f32 v9;
	v8 =	vmul.f32 $1.442695020e+00, v8  }
0x1a2: {  	v57 =	vld [tilespmem:s28+$0x10];
	v9 =	vsub.f32 $1.100000020e+00, v13;
	v53 =	vpop (erf);
	(erf) = vpow2.f32 v12;
	v15 =	vmul.f32 $1.442695020e+00, v15  }
0x1a3: {  	v3 =	vsub.f32 $1.100000020e+00, v3;
	v6 =	vmul.f32 v6, v50;
	v13 =	vld [tilespmem:s28+$0xFFFFFFE0];
	v54 =	vpop (erf);
	(erf) = vpow2.f32 v8  }
0x1a4: {  	v5 =	vsub.f32 $1.100000020e+00, v5;
	v12 =	vld [tilespmem:s28+$0xFFFFFFF0];
	v9 =	vmul.f32 v52, v9;
	v56 =	vpop (erf);
	(erf) = vpow2.f32 v55  }
0x1a5: {  	v11 =	vsub.f32 $1.000000000e+00, v14;
	v3 =	vmul.f32 v53, v3;
	v8 =	vld [tilespmem:s28+$0x0];
	v0 =	vpop (erf);
	(erf) = vpow2.f32 v15  }
0x1a6: {  	v5 =	vmul.f32 v54, v5;
	v58 =	vsub.f32 $1.000000000e+00, v10;
	v15 =	vpop (erf);
	(erf) = vrcp.f32 v51  }
0x1a7: {  	v7 =	vsub.f32 $1.100000020e+00, v7;
	v11 =	vmul.f32 v15, v11;
	v15 =	vpop (erf);
	(erf) = vrcp.f32 v10  }
0x1a8: {  	v59 =	vsub.f32 $1.000000000e+00, v13;
	v10 =	vpop (erf);
	(erf) = vrcp.f32 v13;
	v13 =	vmul.f32 v15, v58  }
0x1a9: {  	v16 =	vsub.f32 $1.000000000e+00, v57;
	v10 =	vmul.f32 v11, v10;
	v15 =	vpop (erf);
	(erf) = vrcp.f32 v12  }
0x1aa: {  	v7 =	vmul.f32 v56, v7;
	v61 =	vsub.f32 $1.000000000e+00, v12;
	v11 =	vsub.f32 $1.000000000e+00, v8;
	v12 =	vpop (erf)  }
0x1ab: {  	(erf) = vrcp.f32 v8;
	v8 =	vshrl.u32 v10, $0x1;
	v62 =	vmul.f32 $5.000000000e-01, v10;
	v63 =	vpop (erf)  }
0x1ac: {  	v15 =	vmul.f32 v15, v59;
	(erf) = vrcp.f32 v57;
	v8 =	vsub.s32 $0x5F3759DF, v8;
	v28 =	vpop (erf)  }
0x1ad: {  	v14 =	vsub.f32 $1.000000000e+00, v51;
	v12 =	vmul.f32 v12, v61;
	v29 =	vmul.f32 v8, v62;
	v31 =	vpop (erf)  }
0x1ae: {  	v4 =	vmax.f32 v4, $0.0e+00;
	v10 =	vmul.f32 v10, v10;
	(erf) = vrcp.f32 v60;
	v32 =	vpop (erf)  }
0x1af: {  	v6 =	vmax.f32 v6, $0.0e+00;
	v33 =	vmul.f32 v8, v29;
	v14 =	vmul.f32 v32, v14;
	v34 =	vpop (erf)  }
0x1b0: {  	v4 =	vmin.f32 v4, $1.000000000e+00;
	v11 =	vmul.f32 v63, v11;
	v16 =	vmul.f32 v28, v16;
	v35 =	vpop (erf)  }
0x1b1: {  	v17 =	vmul.f32 v31, v30;
	v36 =	vsub.f32 $1.500000000e+00, v33;
	v14 =	vmul.f32 v14, v34;
	v37 =	vpop (erf)  }
0x1b2: {  	v6 =	vmin.f32 v6, $1.000000000e+00;
	v13 =	vmul.f32 v13, v35;
	v15 =	vmul.f32 v15, v37;
	v38 =	vpop (erf)  }
0x1b3: {  	v8 =	vmul.f32 v8, v36;
	v12 =	vmul.f32 v12, v38;
	v40 =	vshrl.u32 v14, $0x1  }
0x1b4: {  	v1 =	vpop (erf);
	v41 =	vmul.f32 $5.000000000e-01, v14;
	v43 =	vshrl.u32 v13, $0x1;
	v24 =	vmul.f32 $5.000000000e-01, v13  }
0x1b5: {  	v14 =	vmul.f32 v14, v14;
	v11 =	vmul.f32 v11, v1;
	v1 =	vshrl.u32 v15, $0x1  }
0x1b6: {  	v42 =	vpop (erf);
	v46 =	vmul.f32 $5.000000000e-01, v15;
	v18 =	vsub.s32 $0x5F3759DF, v40;
	v21 =	vmul.f32 v8, v62  }
0x1b7: {  	v50 =	vsub.s32 $0x5F3759DF, v43;
	v16 =	vmul.f32 v16, v42;
	v48 =	vmul.f32 $5.000000000e-01, v12  }
0x1b8: {  	v44 =	vpop (erf);
	v31 =	vmul.f32 v18, v41;
	v32 =	vsub.s32 $0x5F3759DF, v1;
	v1 =	vmul.f32 v50, v24  }
0x1b9: {  	v45 =	vshrl.u32 v12, $0x1;
	v12 =	vmul.f32 v12, v12;
	v17 =	vmul.f32 v17, v44  }
0x1ba: {  	v9 =	vmax.f32 v9, $0.0e+00;
	v49 =	vmul.f32 $5.000000000e-01, v11;
	v33 =	vmul.f32 v32, v46  }
0x1bb: {  	v47 =	vshrl.u32 v11, $0x1;
	v11 =	vmul.f32 v11, v11;
	v21 =	vmul.f32 v21, v8  }
0x1bc: {  	v29 =	vshrl.u32 v16, $0x1;
	v30 =	vmul.f32 $5.000000000e-01, v16;
	v53 =	vmul.f32 v18, v31  }
0x1bd: {  	v52 =	vsub.s32 $0x5F3759DF, v47;
	v1 =	vmul.f32 v50, v1;
	v16 =	vmul.f32 v16, v16  }
0x1be: {  	v51 =	vmul.f32 $5.000000000e-01, v17;
	v29 =	vsub.s32 $0x5F3759DF, v29;
	v35 =	vmul.f32 v52, v49  }
0x1bf: {  	v55 =	vshrl.u32 v17, $0x1;
	v33 =	vmul.f32 v32, v33;
	v21 =	vsub.f32 $1.500000000e+00, v21  }
0x1c0: {  	v17 =	vmul.f32 v17, v17;
	v26 =	vsub.f32 $1.500000000e+00, v53;
	v1 =	vsub.f32 $1.500000000e+00, v1  }
0x1c1: {  	v56 =	vmul.f32 v29, v30;
	v31 =	vsub.s32 $0x5F3759DF, v55;
	v35 =	vmul.f32 v52, v35  }
0x1c2: {  	v33 =	vsub.f32 $1.500000000e+00, v33;
	v8 =	vmul.f32 v21, v8;
	v18 =	vmul.f32 v18, v26  }
0x1c3: {  	v21 =	vmul.f32 v50, v1;
	v1 =	vsub.f32 $1.100000020e+00, v2;
	v2 =	vmul.f32 v31, v51  }
0x1c4: {  	v3 =	vmax.f32 v3, $0.0e+00;
	v26 =	vmul.f32 v29, v56;
	v32 =	vmul.f32 v32, v33  }
0x1c5: {  	v35 =	vsub.f32 $1.500000000e+00, v35;
	v8 =	vmul.f32 v8, v10;
	v2 =	vmul.f32 v31, v2  }
0x1c6: {  	v10 =	vsub.s32 $0x5F3759DF, v45;
	v20 =	vmul.f32 v18, v41;
	v24 =	vmul.f32 v21, v24  }
0x1c7: {  	v26 =	vsub.f32 $1.500000000e+00, v26;
	v34 =	vmul.f32 v10, v48;
	v25 =	vmul.f32 v52, v35  }
0x1c8: {  	v22 =	vmul.f32 v32, v46;
	v54 =	vadd.f32 $1.000000000e+00, v8;
	v8 =	vmul.f32 $1.000000010e-01, v8  }
0x1c9: {  	v5 =	vmax.f32 v5, $0.0e+00;
	v26 =	vmul.f32 v29, v26;
	v20 =	vmul.f32 v20, v18  }
0x1ca: {  	v2 =	vsub.f32 $1.500000000e+00, v2;
	v24 =	vmul.f32 v24, v21;
	v34 =	vmul.f32 v10, v34  }
0x1cb: {  	v9 =	vmin.f32 v9, $1.000000000e+00;
	v28 =	vmul.f32 v25, v49;
	(erf) = vrcp.f32 v54  }
0x1cc: {  	v7 =	vmax.f32 v7, $0.0e+00;
	v22 =	vmul.f32 v22, v32;
	v2 =	vmul.f32 v31, v2  }
0x1cd: {  	v58 =	vmul.f32 v26, v30;
	v20 =	vsub.f32 $1.500000000e+00, v20;
	v34 =	vsub.f32 $1.500000000e+00, v34  }
0x1ce: {  	v24 =	vsub.f32 $1.500000000e+00, v24;
	v28 =	vmul.f32 v28, v25;
	v23 =	vmul.f32 v2, v51  }
0x1cf: {  	v22 =	vsub.f32 $1.500000000e+00, v22;
	v29 =	vmul.f32 v58, v26;
	v10 =	vmul.f32 v10, v34  }
0x1d0: {  	v18 =	vmul.f32 v20, v18;
	v60 =	vsub.f32 $1.500000000e+00, v28;
	v23 =	vmul.f32 v23, v2  }
0x1d1: {  	v21 =	vmul.f32 v24, v21;
	v61 =	vsub.f32 $1.500000000e+00, v29;
	v27 =	vmul.f32 v10, v48  }
0x1d2: {  	v22 =	vmul.f32 v22, v32;
	v62 =	vmul.f32 v60, v25;
	v23 =	vsub.f32 $1.500000000e+00, v23  }
0x1d3: {  	v8 =	vsub.f32 $1.100000020e+00, v8;
	v24 =	vmul.f32 v61, v26;
	v27 =	vmul.f32 v27, v10  }
0x1d4: {  	s29 =	simm.s32 $0x4140;
	v23 =	vmul.f32 v23, v2;
	v2 =	vmin.f32 v3, $1.000000000e+00;
	v3 =	vmul.f32 v13, v13;
	v57 =	vpop (erf)  }
0x1d5: {  	[tilespmem:s29+$0xFFFFFFC0] =	vst v4;
	v13 =	vmul.f32 v15, v15;
	v15 =	vmin.f32 v7, $1.000000000e+00;
	v8 =	vmul.f32 v57, v8  }
0x1d6: {  	v59 =	vsub.f32 $1.500000000e+00, v27;
	[tilespmem:s29+$0xFFFFFFF0] =	vst v2;
	v2 =	vmul.f32 v24, v16;
	v7 =	vmul.f32 v21, v3  }
0x1d7: {  	[tilespmem:s29+$0xFFFFFFD0] =	vst v6;
	v6 =	vmul.f32 v22, v13;
	v4 =	vmax.f32 v8, $0.0e+00;
	v8 =	vmul.f32 v18, v14  }
0x1d8: {  	[tilespmem:s29+$0x30] =	vst v39;
	v5 =	vmin.f32 v5, $1.000000000e+00;
	v3 =	vmul.f32 v62, v11;
	v10 =	vmul.f32 v59, v10  }
0x1d9: {  	[tilespmem:s29+$0x0] =	vst v5;
	v5 =	vmul.f32 v23, v17;
	v11 =	vadd.f32 $1.000000000e+00, v2;
	v14 =	vadd.f32 $1.000000000e+00, v8  }
0x1da: {  	[tilespmem:s29+$0xFFFFFFE0] =	vst v9;
	v63 =	vadd.f32 $1.000000000e+00, v7;
	v9 =	vmin.f32 v4, $1.000000000e+00;
	v4 =	vmul.f32 v10, v12  }
0x1db: {  	s30 =	simm.s32 $0x41C0;
	[tilespmem:s29+$0x10] =	vst v15;
	v12 =	vadd.f32 $1.000000000e+00, v6;
	v10 =	vadd.f32 $1.000000000e+00, v3;
	(erf) = vrcp.f32 v14  }
0x1dc: {  	s31 =	simm.s32 $0x80;
	s1 =	simm.s32 $0xE40;
	[tilespmem:s30+$0x30] =	vst v9;
	v9 =	vadd.f32 $1.000000000e+00, v5;
	v13 =	vadd.f32 $1.000000000e+00, v4;
	(erf) = vrcp.f32 v63  }
.LBB2_4:
0x1dd: {  	v14 =	vld [tilespmem:s1+$0x30];
	s31 =	sadd.s32 $0x80, s31;
	v8 =	vmul.f32 $1.000000010e-01, v8;
	(erf) = vrcp.f32 v12  }
0x1de: {  	v7 =	vmul.f32 $1.000000010e-01, v7;
	v12 =	vld [tilespmem:s1+$0xFFFFFFD0];
	p1 =	slt.u32 s31, $0xC80;
	(erf) = vrcp.f32 v13  }
0x1df: {  	v6 =	vmul.f32 $1.000000010e-01, v6;
	v13 =	vld [tilespmem:s1+$0xFFFFFFE0];
	v8 =	vsub.f32 $1.100000020e+00, v8;
	(erf) = vrcp.f32 v10  }
0x1e0: {  	v4 =	vmul.f32 $1.000000010e-01, v4;
	v7 =	vsub.f32 $1.100000020e+00, v7;
	v10 =	vld [tilespmem:s1+$0xFFFFFFF0];
	(erf) = vrcp.f32 v11  }
0x1e1: {  	v3 =	vmul.f32 $1.000000010e-01, v3;
	v6 =	vsub.f32 $1.100000020e+00, v6;
	v11 =	vld [tilespmem:s1+$0x0];
	(erf) = vrcp.f32 v9  }
0x1e2: {  	v19 =	vmul.f32 $1.000000010e-01, v2;
	v5 =	vmul.f32 $1.000000010e-01, v5;
	s28 =	sadd.s32 $0x80, s28;
	v9 =	vld [tilespmem:s1+$0x10];
	v17 =	vsub.f32 $0.0e+00, v14  }
0x1e3: {  	v16 =	vmul.f32 v0, v1;
	v4 =	vsub.f32 $1.100000020e+00, v4;
	v12 =	vsub.f32 $0.0e+00, v12;
	v15 =	vld [tilespmem:s28+$0x30]  }
0x1e4: {  	v3 =	vsub.f32 $1.100000020e+00, v3;
	v0 =	vsub.f32 $0.0e+00, v13;
	v13 =	vld [tilespmem:s1+$0x20];
	v1 =	vmul.f32 $1.442695020e+00, v17;
	v14 =	vpop (erf)  }
0x1e5: {  	v18 =	vsub.f32 $1.100000020e+00, v19;
	v17 =	vld [tilespmem:s1+$0xFFFFFFC0];
	v22 =	vmul.f32 $1.442695020e+00, v12;
	v10 =	vsub.f32 $0.0e+00, v10;
	v2 =	vpop (erf)  }
0x1e6: {  	v19 =	vld [tilespmem:s28+$0xFFFFFFC0];
	v0 =	vmul.f32 $1.442695020e+00, v0;
	v11 =	vsub.f32 $0.0e+00, v11;
	(erf) = vpow2.f32 v1;
	v20 =	vpop (erf)  }
0x1e7: {  	v21 =	vld [tilespmem:s28+$0xFFFFFFD0];
	v10 =	vmul.f32 $1.442695020e+00, v10;
	v9 =	vsub.f32 $0.0e+00, v9;
	(erf) = vpow2.f32 v22;
	v12 =	vpop (erf)  }
0x1e8: {  	v1 =	vsub.f32 $1.100000020e+00, v5;
	v22 =	vld [tilespmem:s28+$0xFFFFFFE0];
	v11 =	vmul.f32 $1.442695020e+00, v11;
	(erf) = vrcp.f32 v15;
	v5 =	vpop (erf)  }
0x1e9: {  	v23 =	vld [tilespmem:s28+$0xFFFFFFF0];
	v9 =	vmul.f32 $1.442695020e+00, v9;
	v13 =	vsub.f32 $0.0e+00, v13;
	(erf) = vpow2.f32 v0;
	v24 =	vpop (erf)  }
0x1ea: {  	v8 =	vmul.f32 v14, v8;
	v17 =	vsub.f32 $0.0e+00, v17;
	v25 =	vld [tilespmem:s28+$0x0];
	(erf) = vpow2.f32 v10;
	v0 =	vpop (erf)  }
0x1eb: {  	v10 =	vsub.f32 $1.000000000e+00, v19;
	v14 =	vld [tilespmem:s28+$0x10];
	v13 =	vmul.f32 $1.442695020e+00, v13;
	(erf) = vpow2.f32 v11  }
0x1ec: {  	v11 =	vmul.f32 $1.442695020e+00, v17;
	v17 =	vsub.f32 $1.000000000e+00, v21;
	v26 =	vld [tilespmem:s28+$0x20];
	(erf) = vpow2.f32 v9  }
0x1ed: {  	v2 =	vmul.f32 v2, v7;
	v9 =	vsub.f32 $1.000000000e+00, v22;
	(erf) = vpow2.f32 v13  }
0x1ee: {  	v13 =	vsub.f32 $1.000000000e+00, v15;
	v7 =	vsub.f32 $1.000000000e+00, v23;
	(erf) = vpow2.f32 v11  }
0x1ef: {  	v6 =	vmul.f32 v20, v6;
	v11 =	vsub.f32 $1.000000000e+00, v25;
	(erf) = vrcp.f32 v19;
	v15 =	vpop (erf)  }
0x1f0: {  	v19 =	vsub.f32 $1.000000000e+00, v14;
	v13 =	vmul.f32 v15, v13;
	v15 =	vpop (erf);
	(erf) = vrcp.f32 v21  }
0x1f1: {  	v15 =	vmul.f32 v15, v17;
	v17 =	vsub.f32 $1.000000000e+00, v26;
	(erf) = vrcp.f32 v22;
	v20 =	vpop (erf)  }
0x1f2: {  	v8 =	vmax.f32 v8, $0.0e+00;
	v13 =	vmul.f32 v13, v20;
	v20 =	vpop (erf);
	(erf) = vrcp.f32 v23  }
0x1f3: {  	v2 =	vmax.f32 v2, $0.0e+00;
	v20 =	vmul.f32 v20, v9;
	v9 =	vpop (erf);
	(erf) = vrcp.f32 v25  }
0x1f4: {  	v21 =	vshrl.u32 v13, $0x1;
	v22 =	vmul.f32 $5.000000000e-01, v13;
	v23 =	vpop (erf);
	(erf) = vrcp.f32 v14  }
0x1f5: {  	v7 =	vmul.f32 v9, v7;
	v14 =	vsub.s32 $0x5F3759DF, v21;
	v9 =	vpop (erf);
	(erf) = vrcp.f32 v26  }
0x1f6: {  	v25 =	vmax.f32 v6, $0.0e+00;
	v11 =	vmul.f32 v23, v11;
	v26 =	vmul.f32 v14, v22;
	v23 =	vpop (erf)  }
0x1f7: {  	v19 =	vmul.f32 v9, v19;
	v9 =	vmax.f32 v16, $0.0e+00;
	v17 =	vmul.f32 v23, v17;
	v6 =	vpop (erf)  }
0x1f8: {  	v8 =	vmin.f32 v8, $1.000000000e+00;
	v6 =	vmul.f32 v6, v10;
	v10 =	vmul.f32 v14, v26;
	v16 =	vpop (erf)  }
0x1f9: {  	v12 =	vmul.f32 v12, v4;
	v23 =	vmul.f32 v5, v3;
	v21 =	vpop (erf);
	[tilespmem:s30+$0xFFFFFFC0] =	vst v8;
	v8 =	vmin.f32 v2, $1.000000000e+00  }
0x1fa: {  	v3 =	vmul.f32 v6, v16;
	v2 =	vmul.f32 v15, v21;
	v16 =	vsub.f32 $1.500000000e+00, v10;
	v4 =	vpop (erf);
	[tilespmem:s30+$0xFFFFFFD0] =	vst v8  }
0x1fb: {  	v10 =	vmax.f32 v12, $0.0e+00;
	v12 =	vmul.f32 v24, v18;
	v4 =	vmul.f32 v20, v4;
	v5 =	vpop (erf)  }
0x1fc: {  	v15 =	vshrl.u32 v3, $0x1;
	v5 =	vmul.f32 v7, v5;
	v14 =	vmul.f32 v14, v16;
	v6 =	vpop (erf)  }
0x1fd: {  	v16 =	vmul.f32 $5.000000000e-01, v3;
	v18 =	vshrl.u32 v2, $0x1;
	v6 =	vmul.f32 v11, v6;
	v7 =	vpop (erf)  }
0x1fe: {  	v11 =	vshrl.u32 v4, $0x1;
	v7 =	vmul.f32 v19, v7;
	v19 =	vmul.f32 v14, v22;
	v8 =	vpop (erf)  }
0x1ff: {  	v20 =	vmul.f32 $5.000000000e-01, v2;
	v21 =	vshrl.u32 v5, $0x1;
	v8 =	vmul.f32 v17, v8  }
0x200: {  	v17 =	vmul.f32 $5.000000000e-01, v4;
	v22 =	vshrl.u32 v6, $0x1;
	v19 =	vmul.f32 v19, v14  }
0x201: {  	v24 =	vmul.f32 $5.000000000e-01, v5;
	v26 =	vmul.f32 $5.000000000e-01, v6;
	v27 =	vshrl.u32 v7, $0x1  }
0x202: {  	v28 =	vmul.f32 $5.000000000e-01, v7;
	v29 =	vshrl.u32 v8, $0x1;
	v19 =	vsub.f32 $1.500000000e+00, v19  }
0x203: {  	v15 =	vsub.s32 $0x5F3759DF, v15;
	v18 =	vsub.s32 $0x5F3759DF, v18;
	v30 =	vmul.f32 $5.000000000e-01, v8  }
0x204: {  	v13 =	vmul.f32 v13, v13;
	v11 =	vsub.s32 $0x5F3759DF, v11;
	v14 =	vmul.f32 v19, v14  }
0x205: {  	v19 =	vsub.s32 $0x5F3759DF, v21;
	v21 =	vsub.s32 $0x5F3759DF, v22;
	v22 =	vsub.s32 $0x5F3759DF, v27  }
0x206: {  	v29 =	vsub.s32 $0x5F3759DF, v29;
	v27 =	vmul.f32 v15, v16;
	v13 =	vmul.f32 v14, v13  }
0x207: {  	v23 =	vmax.f32 v23, $0.0e+00;
	v31 =	vmul.f32 v11, v17;
	v14 =	vmul.f32 v18, v20  }
0x208: {  	v32 =	vmul.f32 v19, v24;
	v33 =	vmul.f32 v21, v26;
	v34 =	vadd.f32 $1.000000000e+00, v13  }
0x209: {  	v12 =	vmax.f32 v12, $0.0e+00;
	v36 =	vmul.f32 v29, v30;
	v35 =	vmul.f32 v22, v28  }
0x20a: {  	v25 =	vmin.f32 v25, $1.000000000e+00;
	v27 =	vmul.f32 v15, v27;
	(erf) = vrcp.f32 v34  }
0x20b: {  	v10 =	vmin.f32 v10, $1.000000000e+00;
	v31 =	vmul.f32 v11, v31;
	v14 =	vmul.f32 v18, v14;
	[tilespmem:s30+$0xFFFFFFE0] =	vst v25  }
0x20c: {  	v25 =	vsub.f32 $1.500000000e+00, v27;
	v27 =	vmul.f32 v19, v32;
	v32 =	vmul.f32 v21, v33;
	[tilespmem:s30+$0xFFFFFFF0] =	vst v10  }
0x20d: {  	v33 =	vmul.f32 v29, v36;
	v10 =	vsub.f32 $1.500000000e+00, v14;
	v14 =	vmul.f32 v22, v35  }
0x20e: {  	v15 =	vmul.f32 v15, v25;
	v25 =	vsub.f32 $1.500000000e+00, v31;
	v27 =	vsub.f32 $1.500000000e+00, v27  }
0x20f: {  	v10 =	vmul.f32 v18, v10;
	v18 =	vsub.f32 $1.500000000e+00, v32;
	v14 =	vsub.f32 $1.500000000e+00, v14  }
0x210: {  	v13 =	vmul.f32 $1.000000010e-01, v13;
	v11 =	vmul.f32 v11, v25;
	v25 =	vsub.f32 $1.500000000e+00, v33  }
0x211: {  	v23 =	vmin.f32 v23, $1.000000000e+00;
	v19 =	vmul.f32 v19, v27;
	v18 =	vmul.f32 v21, v18  }
0x212: {  	v13 =	vsub.f32 $1.100000020e+00, v13;
	v14 =	vmul.f32 v22, v14;
	v22 =	vmul.f32 v29, v25;
	[tilespmem:s30+$0x0] =	vst v23  }
0x213: {  	v12 =	vmin.f32 v12, $1.000000000e+00;
	v16 =	vmul.f32 v15, v16;
	v20 =	vmul.f32 v10, v20;
	v21 =	vpop (erf)  }
0x214: {  	v9 =	vmin.f32 v9, $1.000000000e+00;
	v17 =	vmul.f32 v11, v17;
	v13 =	vmul.f32 v21, v13;
	[tilespmem:s30+$0x10] =	vst v12  }
0x215: {  	v12 =	vmul.f32 v19, v24;
	v21 =	vmul.f32 v18, v26;
	[tilespmem:s29+$0x20] =	vst v9;
	s29 =	smov.u32 s30  }
0x216: {  	v23 =	vmul.f32 v22, v30;
	v9 =	vmul.f32 v14, v28;
	v13 =	vmax.f32 v13, $0.0e+00  }
0x217: {  	v16 =	vmul.f32 v16, v15;
	v20 =	vmul.f32 v20, v10;
	s30 =	sadd.s32 $0x80, s30;
	v13 =	vmin.f32 v13, $1.000000000e+00  }
0x218: {  	v17 =	vmul.f32 v17, v11;
	v12 =	vmul.f32 v12, v19;
	[tilespmem:s30+$0x30] =	vst v13  }
0x219: {  	v9 =	vmul.f32 v9, v14;
	v13 =	vsub.f32 $1.500000000e+00, v16;
	v16 =	vmul.f32 v21, v18  }
0x21a: {  	v20 =	vsub.f32 $1.500000000e+00, v20;
	v17 =	vsub.f32 $1.500000000e+00, v17;
	v21 =	vmul.f32 v23, v22  }
0x21b: {  	v12 =	vsub.f32 $1.500000000e+00, v12;
	v13 =	vmul.f32 v13, v15;
	v15 =	vsub.f32 $1.500000000e+00, v16  }
0x21c: {  	v10 =	vmul.f32 v20, v10;
	v9 =	vsub.f32 $1.500000000e+00, v9;
	v16 =	vsub.f32 $1.500000000e+00, v21  }
0x21d: {  	v11 =	vmul.f32 v17, v11;
	v12 =	vmul.f32 v12, v19  }
0x21e: {  	v9 =	vmul.f32 v9, v14;
	v15 =	vmul.f32 v15, v18  }
0x21f: {  	v3 =	vmul.f32 v3, v3;
	v14 =	vmul.f32 v16, v22  }
0x220: {  	v2 =	vmul.f32 v2, v2;
	v4 =	vmul.f32 v4, v4  }
0x221: {  	v5 =	vmul.f32 v5, v5;
	v16 =	vmul.f32 v6, v6  }
0x222: {  	v17 =	vmul.f32 v7, v7;
	v18 =	vmul.f32 v8, v8  }
0x223: {  	v7 =	vmul.f32 v10, v2;
	v8 =	vmul.f32 v13, v3  }
.Ltmp3:
0x224: {  	v6 =	vmul.f32 v11, v4;
	v4 =	vmul.f32 v12, v5;
	(pc) =	sbr.rel @p1 .LBB2_4-.Ltmp3, $4  }
0x225: {  	v2 =	vmul.f32 v9, v17;
	v11 =	vadd.f32 $1.000000000e+00, v8;
	v3 =	vmul.f32 v15, v16  }
0x226: {  	v15 =	vadd.f32 $1.000000000e+00, v7;
	v12 =	vadd.f32 $1.000000000e+00, v6;
	v5 =	vmul.f32 v14, v18  }
0x227: {  	v13 =	vadd.f32 $1.000000000e+00, v4;
	v10 =	vadd.f32 $1.000000000e+00, v3;
	(erf) = vrcp.f32 v11  }
0x228: {  	s1 =	sadd.s32 $0x80, s1;
	v9 =	vadd.f32 $1.000000000e+00, v5;
	v11 =	vadd.f32 $1.000000000e+00, v2;
	(erf) = vrcp.f32 v15  }
0x229: {  	(erf) = vrcp.f32 v12  }
0x22a: {  	v8 =	vmul.f32 $1.000000010e-01, v8;
	(erf) = vrcp.f32 v13  }
0x22b: {  	v7 =	vmul.f32 $1.000000010e-01, v7;
	(erf) = vrcp.f32 v10  }
0x22c: {  	v6 =	vmul.f32 $1.000000010e-01, v6;
	(erf) = vrcp.f32 v11  }
0x22d: {  	v4 =	vmul.f32 $1.000000010e-01, v4;
	(erf) = vrcp.f32 v9  }
0x22e: {  	v3 =	vmul.f32 $1.000000010e-01, v3;
	v2 =	vmul.f32 $1.000000010e-01, v2  }
0x22f: {  	v5 =	vmul.f32 $1.000000010e-01, v5;
	v8 =	vsub.f32 $1.100000020e+00, v8;
	v7 =	vsub.f32 $1.100000020e+00, v7  }
0x230: {  	v0 =	vmul.f32 v0, v1;
	v6 =	vsub.f32 $1.100000020e+00, v6;
	v4 =	vsub.f32 $1.100000020e+00, v4;
	v56 =	vpop (erf)  }
0x231: {  	v3 =	vsub.f32 $1.100000020e+00, v3;
	v2 =	vsub.f32 $1.100000020e+00, v2;
	v57 =	vpop (erf);
	v8 =	vmul.f32 v56, v8  }
0x232: {  	v5 =	vsub.f32 $1.100000020e+00, v5;
	v0 =	vmax.f32 v0, $0.0e+00;
	v58 =	vpop (erf);
	v7 =	vmul.f32 v57, v7  }
0x233: {  	v0 =	vmin.f32 v0, $1.000000000e+00;
	v59 =	vpop (erf);
	v6 =	vmul.f32 v58, v6;
	v8 =	vmax.f32 v8, $0.0e+00  }
0x234: {  	[tilespmem:s29+$0x20] =	vst v0;
	v60 =	vpop (erf);
	v7 =	vmax.f32 v7, $0.0e+00;
	v8 =	vmin.f32 v8, $1.000000000e+00;
	v4 =	vmul.f32 v59, v4  }
0x235: {  	v61 =	vpop (erf);
	v6 =	vmax.f32 v6, $0.0e+00;
	[tilespmem:s30+$0xFFFFFFC0] =	vst v8;
	v7 =	vmin.f32 v7, $1.000000000e+00;
	v3 =	vmul.f32 v60, v3  }
0x236: {  	[tilespmem:s30+$0xFFFFFFD0] =	vst v7;
	v4 =	vmax.f32 v4, $0.0e+00;
	v2 =	vmul.f32 v61, v2;
	v6 =	vmin.f32 v6, $1.000000000e+00;
	v62 =	vpop (erf)  }
0x237: {  	v3 =	vmax.f32 v3, $0.0e+00;
	[tilespmem:s30+$0xFFFFFFE0] =	vst v6;
	v4 =	vmin.f32 v4, $1.000000000e+00;
	v1 =	vmul.f32 v62, v5  }
0x238: {  	v2 =	vmax.f32 v2, $0.0e+00;
	[tilespmem:s30+$0xFFFFFFF0] =	vst v4;
	v3 =	vmin.f32 v3, $1.000000000e+00  }
0x239: {  	[tilespmem:s30+$0x0] =	vst v3;
	v2 =	vmin.f32 v2, $1.000000000e+00;
	v1 =	vmax.f32 v1, $0.0e+00  }
0x23a: {  	[tilespmem:s30+$0x10] =	vst v2;
	v63 =	vmin.f32 v1, $1.000000000e+00  }
0x23b: {  	[tilespmem:s30+$0x20] =	vst v63  }
0x23c: {  	[hbm4b:s8+s2] =	stream.linear.scatter [tilespmem:s19], [sflag:$0x4], $0xD00, $0x38;
	[tilespmem:$0x5580] =	vst v63  }
0x23d: {  	_ =	swait.ge [sflag:s20], $0xD00  }
.Ltmp4:
0x23e: {  	[sflag:s20] =	ssyncset.done $0x0;
	(pc) =	sbr.rel @p0 .LBB2_9-.Ltmp4, $4  }
0x23f: {  	[sflag:s20] =	ssyncadd.s32 $0xFFFFF300  }
0x240: {  	_ =	swait.ge [sflag:s21], $0xD00  }
0x241: {  	[sflag:s21] =	ssyncset.done $0x0  }
0x242: {  	[sflag:s21] =	ssyncadd.s32 $0xFFFFF300  }
0x243: {  	[tilespmem:s22], [sflag:$0x5] =	stream.linear.gather [hbm4b:s9+s2], $0x240, $0x38;
	[tilespmem:$0x5580] =	vst v63  }
0x244: {  	_ =	swait.ge [sflag:s23], $0x240  }
0x245: {  	[sflag:s23] =	ssyncset.done $0x0  }
0x246: {  	[sflag:s23] =	ssyncadd.s32 $0xFFFFFDC0  }
0x247: {  	[tilespmem:s24], [sflag:$0x5] =	stream.linear.gather [hbm4b:s10+s2], $0x240, $0x38;
	[tilespmem:$0x5580] =	vst v63  }
0x248: {  	_ =	swait.ge [sflag:s23], $0x240  }
0x249: {  	[sflag:s23] =	ssyncset.done $0x0  }
0x24a: {  	s0 =	simm.s32 $0x4E20;
	[sflag:s23] =	ssyncadd.s32 $0xFFFFFDC0  }
0x24b: {  	s1 =	simm.s32 $0x50A0;
	v0 =	vld [tilespmem:s0+$0xFFFFFFE0]  }
0x24c: {  	v1 =	vld [tilespmem:s1+$0x10]  }
0x24d: {  	v2 =	vld [tilespmem:s1+$0x0]  }
0x24e: {  	v3 =	vld [tilespmem:s0+$0x10]  }
0x24f: {  	v4 =	vld [tilespmem:s0+$0xFFFFFFF0]  }
0x250: {  	v5 =	vld [tilespmem:s0+$0x0];
	v0 =	vsub.f32 $0.0e+00, v0  }
0x251: {  	v6 =	vld [tilespmem:s1+$0xFFFFFFE0]  }
0x252: {  	(erf) = vrcp.f32 v1;
	v0 =	vmul.f32 $1.442695020e+00, v0  }
0x253: {  	v3 =	vsub.f32 $0.0e+00, v3  }
0x254: {  	v4 =	vsub.f32 $0.0e+00, v4;
	(erf) = vpow2.f32 v0  }
0x255: {  	v3 =	vmul.f32 $1.442695020e+00, v3;
	v0 =	vsub.f32 $0.0e+00, v5;
	(erf) = vrcp.f32 v2  }
0x256: {  	v4 =	vmul.f32 $1.442695020e+00, v4;
	v5 =	vld [tilespmem:s1+$0xFFFFFFF0];
	(erf) = vrcp.f32 v6  }
0x257: {  	v0 =	vmul.f32 $1.442695020e+00, v0;
	(erf) = vpow2.f32 v3  }
0x258: {  	(erf) = vpow2.f32 v4  }
0x259: {  	(erf) = vpow2.f32 v0;
	_ =	sdelay $0x1  }
0x25a: {  	v0 =	vpop (erf);
	(erf) = vrcp.f32 v5  }
0x25b: {  	v3 =	vsub.f32 $1.000000000e+00, v6  }
0x25c: {  	s0 =	simm.s32 $0x4E60;
	v4 =	vpop (erf)  }
0x25d: {  	v7 =	vld [tilespmem:s0+$0xFFFFFFE0];
	s1 =	simm.s32 $0x50E0;
	v6 =	vpop (erf);
	v3 =	vmul.f32 v4, v3  }
0x25e: {  	v1 =	vsub.f32 $1.000000000e+00, v1;
	v9 =	vld [tilespmem:s1+$0x10];
	v4 =	vpop (erf)  }
0x25f: {  	v5 =	vsub.f32 $1.000000000e+00, v5;
	v8 =	vpop (erf);
	v3 =	vmul.f32 v3, v4  }
0x260: {  	v2 =	vsub.f32 $1.000000000e+00, v2;
	v4 =	vpop (erf);
	v1 =	vmul.f32 v8, v1  }
0x261: {  	v10 =	vld [tilespmem:s1+$0x0];
	v11 =	vpop (erf);
	v4 =	vmul.f32 v4, v5;
	v12 =	vshrl.u32 v3, $0x1;
	v13 =	vmul.f32 $5.000000000e-01, v3  }
0x262: {  	v5 =	vld [tilespmem:s0+$0x10];
	v14 =	vmul.f32 v3, v3;
	v3 =	vsub.f32 $0.0e+00, v7;
	v2 =	vmul.f32 v11, v2  }
0x263: {  	v11 =	vld [tilespmem:s0+$0xFFFFFFF0];
	v12 =	vsub.s32 $0x5F3759DF, v12;
	v16 =	vpop (erf);
	(erf) = vrcp.f32 v9;
	v0 =	vmul.f32 v1, v0  }
0x264: {  	v7 =	vld [tilespmem:s0+$0x0];
	v15 =	vmul.f32 v12, v13;
	v4 =	vmul.f32 v4, v16  }
0x265: {  	v3 =	vmul.f32 $1.442695020e+00, v3;
	v6 =	vmul.f32 v2, v6;
	v2 =	vld [tilespmem:s1+$0xFFFFFFE0]  }
0x266: {  	v17 =	vmul.f32 $5.000000000e-01, v0;
	v23 =	vmul.f32 v0, v0  }
0x267: {  	v15 =	vmul.f32 v12, v15;
	(erf) = vpow2.f32 v3;
	v5 =	vsub.f32 $0.0e+00, v5  }
0x268: {  	v16 =	vmul.f32 v4, v4;
	(erf) = vrcp.f32 v10;
	v8 =	vsub.f32 $0.0e+00, v11  }
0x269: {  	v3 =	vsub.f32 $0.0e+00, v7;
	v11 =	vmul.f32 $5.000000000e-01, v4;
	v5 =	vmul.f32 $1.442695020e+00, v5  }
0x26a: {  	v7 =	vmul.f32 $1.442695020e+00, v8;
	(erf) = vrcp.f32 v2  }
0x26b: {  	v3 =	vmul.f32 $1.442695020e+00, v3;
	(erf) = vpow2.f32 v5;
	v5 =	vshrl.u32 v4, $0x1  }
0x26c: {  	v8 =	vshrl.u32 v6, $0x1;
	(erf) = vpow2.f32 v7;
	v1 =	vsub.s32 $0x5F3759DF, v5  }
0x26d: {  	v5 =	vld [tilespmem:s1+$0xFFFFFFF0];
	(erf) = vpow2.f32 v3;
	v3 =	vsub.f32 $1.500000000e+00, v15;
	v15 =	vmul.f32 v1, v11  }
0x26e: {  	v2 =	vsub.f32 $1.000000000e+00, v2;
	v4 =	vshrl.u32 v0, $0x1;
	v7 =	vmul.f32 $5.000000000e-01, v6  }
0x26f: {  	v8 =	vsub.s32 $0x5F3759DF, v8;
	v18 =	vpop (erf);
	v6 =	vmul.f32 v6, v6;
	v15 =	vmul.f32 v1, v15  }
0x270: {  	v4 =	vsub.s32 $0x5F3759DF, v4;
	v20 =	vmul.f32 v8, v7;
	v12 =	vmul.f32 v12, v3;
	v19 =	vpop (erf)  }
0x271: {  	v3 =	vmul.f32 v4, v17;
	v2 =	vmul.f32 v19, v2;
	v15 =	vsub.f32 $1.500000000e+00, v15  }
0x272: {  	v9 =	vsub.f32 $1.000000000e+00, v9;
	v19 =	vpop (erf);
	(erf) = vrcp.f32 v5;
	v13 =	vmul.f32 v12, v13  }
0x273: {  	v3 =	vmul.f32 v4, v3;
	v21 =	vpop (erf);
	v15 =	vmul.f32 v1, v15;
	v1 =	vsub.f32 $1.000000000e+00, v5  }
0x274: {  	v5 =	vsub.f32 $1.000000000e+00, v10;
	v10 =	vmul.f32 v8, v20;
	v13 =	vmul.f32 v13, v12;
	v22 =	vpop (erf)  }
0x275: {  	v2 =	vmul.f32 v2, v21;
	v20 =	vpop (erf);
	v11 =	vmul.f32 v15, v11  }
0x276: {  	s1 =	simm.s32 $0x5120;
	v13 =	vsub.f32 $1.500000000e+00, v13;
	v9 =	vmul.f32 v22, v9;
	v21 =	vpop (erf);
	v20 =	vmul.f32 v20, v1  }
0x277: {  	s0 =	simm.s32 $0x4EA0;
	v22 =	vld [tilespmem:s1+$0x10];
	v1 =	vshrl.u32 v2, $0x1;
	v0 =	vmul.f32 v2, v2;
	v5 =	vmul.f32 v21, v5  }
0x278: {  	v25 =	vld [tilespmem:s0+$0x0];
	v21 =	vmul.f32 $5.000000000e-01, v2;
	v2 =	vsub.f32 $1.500000000e+00, v10;
	v11 =	vmul.f32 v11, v15  }
0x279: {  	v26 =	vld [tilespmem:s0+$0xFFFFFFF0];
	v12 =	vmul.f32 v13, v12;
	v18 =	vmul.f32 v9, v18  }
0x27a: {  	v10 =	vsub.s32 $0x5F3759DF, v1;
	v1 =	vmul.f32 v5, v19;
	v8 =	vmul.f32 v8, v2;
	v2 =	vld [tilespmem:s0+$0xFFFFFFE0]  }
0x27b: {  	v5 =	vsub.f32 $1.500000000e+00, v3;
	v19 =	vmul.f32 v10, v21;
	v12 =	vmul.f32 v12, v14  }
0x27c: {  	v11 =	vsub.f32 $1.500000000e+00, v11;
	v24 =	vpop (erf);
	(erf) = vrcp.f32 v22;
	v3 =	vmul.f32 $5.000000000e-01, v1  }
0x27d: {  	v14 =	vsub.f32 $0.0e+00, v25;
	v20 =	vmul.f32 v20, v24;
	v19 =	vmul.f32 v10, v19  }
0x27e: {  	v25 =	vsub.f32 $0.0e+00, v26;
	v7 =	vmul.f32 v8, v7;
	v13 =	vmul.f32 v4, v5  }
0x27f: {  	v4 =	vmul.f32 $5.000000000e-01, v18;
	v14 =	vmul.f32 $1.442695020e+00, v14;
	v9 =	vsub.f32 $0.0e+00, v2  }
0x280: {  	v15 =	vmul.f32 v11, v15;
	v5 =	vmul.f32 v7, v8;
	v7 =	vld [tilespmem:s0+$0x10]  }
0x281: {  	v25 =	vmul.f32 $1.442695020e+00, v25;
	v19 =	vsub.f32 $1.500000000e+00, v19;
	v9 =	vmul.f32 $1.442695020e+00, v9  }
0x282: {  	v24 =	vld [tilespmem:s1+$0x0];
	v17 =	vmul.f32 v13, v17;
	v2 =	vmul.f32 v20, v20  }
0x283: {  	v27 =	vmul.f32 v10, v19;
	(erf) = vpow2.f32 v9;
	v9 =	vld [tilespmem:s1+$0xFFFFFFE0]  }
0x284: {  	v10 =	vshrl.u32 v20, $0x1;
	v19 =	vmul.f32 $5.000000000e-01, v20;
	v11 =	vsub.f32 $1.500000000e+00, v5  }
0x285: {  	v17 =	vmul.f32 v17, v13;
	v10 =	vsub.s32 $0x5F3759DF, v10;
	v7 =	vsub.f32 $0.0e+00, v7  }
0x286: {  	v20 =	vmul.f32 v10, v19;
	v8 =	vmul.f32 v11, v8  }
0x287: {  	v17 =	vsub.f32 $1.500000000e+00, v17;
	(erf) = vrcp.f32 v24;
	v7 =	vmul.f32 $1.442695020e+00, v7  }
0x288: {  	v5 =	vshrl.u32 v18, $0x1;
	v21 =	vmul.f32 v27, v21;
	(erf) = vrcp.f32 v9  }
0x289: {  	v5 =	vsub.s32 $0x5F3759DF, v5;
	v13 =	vmul.f32 v17, v13;
	(erf) = vpow2.f32 v7  }
0x28a: {  	v7 =	vmul.f32 v5, v4;
	(erf) = vpow2.f32 v25  }
0x28b: {  	v26 =	vld [tilespmem:s1+$0xFFFFFFF0];
	v11 =	vpop (erf);
	v8 =	vmul.f32 v8, v6;
	v28 =	vmul.f32 v13, v23;
	v9 =	vsub.f32 $1.000000000e+00, v9  }
0x28c: {  	(erf) = vpow2.f32 v14;
	v7 =	vmul.f32 v5, v7;
	v6 =	vpop (erf)  }
0x28d: {  	v6 =	vmul.f32 v6, v9;
	v9 =	vmul.f32 v10, v20  }
0x28e: {  	v13 =	vsub.f32 $1.000000000e+00, v24;
	v24 =	vmul.f32 v15, v16;
	v14 =	vshrl.u32 v1, $0x1  }
0x28f: {  	v30 =	vadd.f32 $1.000000000e+00, v8;
	v14 =	vsub.s32 $0x5F3759DF, v14;
	v9 =	vsub.f32 $1.500000000e+00, v9  }
0x290: {  	(erf) = vrcp.f32 v26;
	v20 =	vadd.f32 $1.000000000e+00, v12;
	v25 =	vmul.f32 v14, v3;
	v29 =	vpop (erf)  }
0x291: {  	v17 =	vsub.f32 $1.500000000e+00, v7;
	v12 =	vmul.f32 $1.000000010e-01, v12;
	v7 =	vpop (erf);
	v9 =	vmul.f32 v10, v9  }
0x292: {  	(erf) = vrcp.f32 v20;
	v23 =	vpop (erf);
	v10 =	vmul.f32 v6, v7;
	v6 =	vsub.f32 $1.000000000e+00, v26  }
0x293: {  	v25 =	vmul.f32 v14, v25;
	v26 =	vsub.f32 $1.000000000e+00, v22;
	v7 =	vpop (erf);
	v19 =	vmul.f32 v9, v19  }
0x294: {  	v15 =	vshrl.u32 v10, $0x1;
	v22 =	vmul.f32 v7, v6;
	v7 =	vmul.f32 v18, v18  }
0x295: {  	v16 =	vpop (erf);
	v6 =	vmul.f32 $5.000000000e-01, v10;
	v10 =	vmul.f32 v10, v10;
	v18 =	vsub.s32 $0x5F3759DF, v15  }
0x296: {  	v13 =	vmul.f32 v16, v13;
	v15 =	vmul.f32 v21, v27;
	v21 =	vsub.f32 $1.500000000e+00, v25  }
0x297: {  	v16 =	vsub.f32 $1.100000020e+00, v12;
	v12 =	vmul.f32 $1.000000010e-01, v24;
	v31 =	vmul.f32 v18, v6  }
0x298: {  	v13 =	vmul.f32 v13, v29;
	v32 =	vsub.f32 $1.500000000e+00, v15;
	v15 =	vmul.f32 v14, v21  }
0x299: {  	v20 =	vadd.f32 $1.000000000e+00, v28;
	v14 =	vmul.f32 v19, v9;
	v29 =	vmul.f32 $1.000000010e-01, v28  }
0x29a: {  	v12 =	vsub.f32 $1.100000020e+00, v12;
	v19 =	vmul.f32 $1.000000010e-01, v8;
	v31 =	vmul.f32 v18, v31  }
0x29b: {  	s29 =	simm.s32 $0x5320;
	s30 =	simm.s32 $0x80;
	s31 =	simm.s32 $0x5160;
	v21 =	vpop (erf);
	v33 =	vshrl.u32 v13, $0x1;
	v25 =	vmul.f32 $5.000000000e-01, v13;
	v27 =	vmul.f32 v32, v27  }
0x29c: {  	s28 =	simm.s32 $0x5360;
	s0 =	simm.s32 $0x4EE0;
	s1 =	simm.s32 $0x5360;
	v28 =	vmul.f32 v22, v21;
	v21 =	vsub.f32 $1.500000000e+00, v14;
	v22 =	vpop (erf);
	v8 =	vsub.s32 $0x5F3759DF, v33  }
.LBB2_7:
0x29d: {  	v14 =	vld [tilespmem:s0+$0xFFFFFFE0];
	s30 =	sadd.s32 $0x40, s30;
	v23 =	vmul.f32 v23, v26;
	v26 =	vmul.f32 v15, v3;
	s1 =	sadd.s32 $0x40, s1;
	v24 =	vadd.f32 $1.000000000e+00, v24;
	v3 =	vmovc v25  }
0x29e: {  	v32 =	vshrl.u32 v28, $0x1;
	v17 =	vmul.f32 v5, v17;
	v25 =	vld [tilespmem:s31+$0x10];
	p1 =	slt.u32 s30, $0x200;
	(erf) = vrcp.f32 v20  }
0x29f: {  	v5 =	vsub.f32 $1.500000000e+00, v31;
	v20 =	vld [tilespmem:s31+$0x0];
	v31 =	vmul.f32 v23, v11;
	v11 =	vmul.f32 v26, v15  }
0x2a0: {  	v33 =	vmul.f32 v28, v28;
	v29 =	vsub.f32 $1.100000020e+00, v29;
	v26 =	vmul.f32 v17, v4;
	v23 =	vld [tilespmem:s0+$0x10]  }
0x2a1: {  	v34 =	vld [tilespmem:s0+$0xFFFFFFF0];
	v35 =	vshrl.u32 v31, $0x1;
	v4 =	vmul.f32 $5.000000000e-01, v31;
	(erf) = vrcp.f32 v30  }
0x2a2: {  	v30 =	vsub.f32 $0.0e+00, v14;
	v36 =	vld [tilespmem:s0+$0x0];
	v14 =	vmul.f32 v18, v5;
	v18 =	vmul.f32 v1, v1;
	v1 =	vmovc v13  }
0x2a3: {  	v28 =	vmul.f32 $5.000000000e-01, v28;
	v19 =	vsub.f32 $1.100000020e+00, v19;
	v5 =	vsub.s32 $0x5F3759DF, v35;
	v13 =	vld [tilespmem:s31+$0xFFFFFFE0]  }
0x2a4: {  	v32 =	vsub.s32 $0x5F3759DF, v32;
	v30 =	vmul.f32 $1.442695020e+00, v30;
	(erf) = vrcp.f32 v24  }
0x2a5: {  	v24 =	vmul.f32 v32, v28;
	v23 =	vsub.f32 $0.0e+00, v23;
	(erf) = vrcp.f32 v25  }
0x2a6: {  	v27 =	vmul.f32 v27, v0;
	v0 =	vmovc v10;
	v34 =	vsub.f32 $0.0e+00, v34;
	(erf) = vpow2.f32 v30  }
0x2a7: {  	v16 =	vmul.f32 v22, v16;
	v10 =	vsub.f32 $0.0e+00, v36;
	v23 =	vmul.f32 $1.442695020e+00, v23;
	v22 =	vpop (erf)  }
0x2a8: {  	v30 =	vadd.f32 $1.000000000e+00, v27;
	(erf) = vrcp.f32 v20;
	v22 =	vmul.f32 v22, v29  }
0x2a9: {  	v21 =	vmul.f32 v21, v9;
	v9 =	vsub.f32 $1.500000000e+00, v11;
	v10 =	vmul.f32 $1.442695020e+00, v10  }
0x2aa: {  	v16 =	vmax.f32 v16, $0.0e+00;
	v26 =	vmul.f32 v26, v17;
	v11 =	vmul.f32 $1.442695020e+00, v34;
	v29 =	vpop (erf)  }
0x2ab: {  	v9 =	vmul.f32 v9, v15;
	v15 =	vmax.f32 v22, $0.0e+00;
	(erf) = vrcp.f32 v13  }
0x2ac: {  	v15 =	vmin.f32 v15, $1.000000000e+00;
	v22 =	vld [tilespmem:s31+$0xFFFFFFF0];
	(erf) = vpow2.f32 v23;
	v23 =	vmul.f32 v5, v4  }
0x2ad: {  	v34 =	vmul.f32 v9, v18;
	v9 =	vsub.f32 $1.500000000e+00, v26;
	(erf) = vpow2.f32 v11;
	v18 =	vpop (erf)  }
0x2ae: {  	v13 =	vsub.f32 $1.000000000e+00, v13;
	(erf) = vpow2.f32 v10;
	v11 =	vpop (erf);
	v10 =	vmul.f32 v18, v12;
	[tilespmem:s29+$0x10] =	vst v15  }
0x2af: {  	v9 =	vmul.f32 v9, v17;
	v17 =	vmin.f32 v16, $1.000000000e+00;
	v16 =	vmul.f32 v29, v19;
	v12 =	vpop (erf)  }
0x2b0: {  	v12 =	vmul.f32 v12, v13;
	v13 =	vmul.f32 v5, v23;
	[tilespmem:s29+$0xFFFFFFE0] =	vst v17;
	v10 =	vmax.f32 v10, $0.0e+00  }
0x2b1: {  	v16 =	vmax.f32 v16, $0.0e+00;
	v18 =	vmul.f32 v8, v3;
	v17 =	vmul.f32 v32, v24;
	v15 =	vpop (erf)  }
0x2b2: {  	v19 =	vmul.f32 v9, v7;
	v7 =	vmin.f32 v10, $1.000000000e+00;
	(erf) = vrcp.f32 v22  }
0x2b3: {  	v29 =	vsub.f32 $1.000000000e+00, v20;
	v9 =	vsub.f32 $1.500000000e+00, v17;
	[tilespmem:s29+$0xFFFFFFF0] =	vst v7;
	v7 =	vmin.f32 v16, $1.000000000e+00  }
0x2b4: {  	v17 =	vsub.f32 $1.500000000e+00, v13;
	v16 =	vmul.f32 v14, v6;
	v10 =	vpop (erf);
	(erf) = vrcp.f32 v30;
	[tilespmem:s29+$0x0] =	vst v7;
	s29 =	smov.u32 s28;
	s28 =	smov.u32 s1  }
0x2b5: {  	v20 =	vadd.f32 $1.000000000e+00, v19;
	v13 =	vmul.f32 v8, v18;
	v9 =	vmul.f32 v32, v9;
	v23 =	vpop (erf)  }
0x2b6: {  	v24 =	vmul.f32 v21, v2;
	v6 =	vsub.f32 $1.000000000e+00, v22;
	v10 =	vmul.f32 v12, v10;
	v7 =	vpop (erf)  }
0x2b7: {  	v26 =	vsub.f32 $1.000000000e+00, v25;
	v22 =	vmul.f32 $1.000000010e-01, v27;
	v21 =	vmul.f32 v9, v28;
	v12 =	vpop (erf)  }
0x2b8: {  	v2 =	vmovc v33;
	v18 =	vshrl.u32 v10, $0x1;
	v27 =	vmul.f32 v7, v6;
	v7 =	vmul.f32 v31, v31  }
0x2b9: {  	v6 =	vmul.f32 $5.000000000e-01, v10;
	v10 =	vmul.f32 v10, v10;
	v18 =	vsub.s32 $0x5F3759DF, v18  }
0x2ba: {  	v25 =	vmul.f32 v16, v14;
	v28 =	vsub.f32 $1.500000000e+00, v13;
	v12 =	vmul.f32 v12, v29  }
0x2bb: {  	v33 =	vmul.f32 $1.000000010e-01, v24;
	v16 =	vsub.f32 $1.100000020e+00, v22;
	v31 =	vmul.f32 v18, v6;
	v30 =	vpop (erf)  }
.Ltmp5:
0x2bc: {  	v32 =	vsub.f32 $1.500000000e+00, v25;
	v13 =	vmul.f32 v12, v15;
	v15 =	vmul.f32 v8, v28;
	(pc) =	sbr.rel @p1 .LBB2_7-.Ltmp5, $4  }
0x2bd: {  	v29 =	vmul.f32 $1.000000010e-01, v19;
	v8 =	vmul.f32 v21, v9;
	v12 =	vsub.f32 $1.100000020e+00, v33;
	v22 =	vpop (erf)  }
0x2be: {  	v19 =	vmul.f32 $1.000000010e-01, v34;
	v33 =	vshrl.u32 v13, $0x1;
	v25 =	vmul.f32 $5.000000000e-01, v13  }
0x2bf: {  	v28 =	vmul.f32 v27, v30;
	v21 =	vsub.f32 $1.500000000e+00, v8;
	v30 =	vadd.f32 $1.000000000e+00, v34  }
0x2c0: {  	s0 =	sadd.s32 $0x40, s0;
	s31 =	sadd.s32 $0x40, s31;
	v31 =	vmul.f32 v18, v31;
	v27 =	vmul.f32 v32, v14;
	v8 =	vsub.s32 $0x5F3759DF, v33  }
.Ltmp6:
0x2c1: {  	_ = 	snop;
	(pc) =	sbr.rel .LBB2_8-.Ltmp6, $1  }
0x2c2: {  	_ =	sdelay $0x3  }
.LBB2_10:
0x2c3: {  	_ =	sfence.sel $0x180000  }
0x2c4: {  	[bflag:$0x0] =	sbarrier.arrive $0xFFFF  }
0x2c5: {  	_ =	strace $0x90000047  }
0x2c6: {  	s0 =	stileid.u32;
	[bflag:$0x2] =	sbarrier.arrive $0xFFFF  }
0x2c7: {  	p0 =	sne.s32 s0, $0x0;
	s0 =	rddreg [dreg:$0x3]  }
0x2c8: {  	s0 =	sadd.s32 @!p0 $0x100000, s0  }
0x2c9: {  	[sflag:s0] =	ssyncadd.tile.s32 @!p0 $0x1;
	_ =	shalt  }
.Lfunc_end2:
_tile_overlayer_lowered:
.L_overlay_start_2:
0x2ca: {  	(tag) =	ssettag $0x2  }
0x2cb: {  	s0 =	rddreg [dreg:$0x0];
	s2 =	stileid.u32  }
0x2cc: {  	s1 =	rddreg [dreg:$0x1];
	p0 =	sne.s32 s2, $0x0  }
0x2cd: {  	s3 =	rddreg [dreg:$0x2];
	[bflag:$0x3] =	sbarrier.arrive $0xFFFF;
	s2 =	simm.s32 @!p0 $0x1C05  }
0x2ce: {  	[timem:s3], [sflag:s2] =	dma.local @!p0 [hbm:s0], s1  }
0x2cf: {  	s0 =	simm.s32 @!p0 $0x5  }
0x2d0: {  	_ =	swait.ge @!p0 [sflag:s0], s1  }
0x2d1: {  	s1 =	ssub.s32 @!p0 $0x0, s1;
	[sflag:s0] =	ssyncset.done @!p0 $0x0  }
0x2d2: {  	[sflag:s0] =	ssyncadd.s32 @!p0 s1  }
0x2d3: {  	[bflag:$0x3] =	sbarrier.arrive $0xFFFF  }
0x2d4: {  	_ =	shalt  }

</sc_bundles>
